<compile_context>
chip_gen: v7x
topology: tpu7x:2x2x1
jax: 0.10.2.dev20260603
libtpu: 0.0.44.dev20260713+nightly
codegen_flags: <defaults>
</compile_context>

<pallas_src>
import functools

import jax
import jax.numpy as jnp
from jax import lax
from jax.experimental import pallas as pl
from jax.experimental.pallas import tpu as pltpu
from jax.experimental.pallas import tpu_sc as plsc

N = 10000
E = 320000
D = 128

NC = 2
NS = 16
NW = NC * NS
EPT = E // NW
BK = 80
NB = EPT // BK
CH = 2000
BPC = CH // BK
NCH = EPT // CH
NBUF = 4
RPT = 640

_GRID = 5
_XBLK = N // _GRID
_EW = 320
_EBLK = (E // _EW) // _GRID
_CGRID = 2
_CBLK = N // _CGRID


def _prep_body(x_ref, w_ref, src_ref, dst_ref, ef_ref, out_ref, pk_ref):
    z = x_ref[...] * w_ref[...]
    emb = jnp.where(z > 0, z, jnp.exp(z) - 1.0)
    out_ref[0] = emb
    out_ref[1] = emb * 2.0
    ef = ef_ref[...]
    special = (ef == 0) | (ef == 6) | (ef == 14) | (ef == 30)
    gidx = src_ref[...] + jnp.where(special, jnp.int32(N), jnp.int32(0))
    pk_ref[...] = gidx + lax.shift_left(dst_ref[...], 16)


def _prep(x, w, ei2d, ef2d):
    return pl.pallas_call(
        _prep_body,
        grid=(_GRID,),
        in_specs=[
            pl.BlockSpec((_XBLK, D), lambda i: (i, 0)),
            pl.BlockSpec((1, D), lambda i: (0, 0)),
            pl.BlockSpec((_EBLK, _EW), lambda i: (i, 0)),
            pl.BlockSpec((_EBLK, _EW), lambda i: (i + _GRID, 0)),
            pl.BlockSpec((_EBLK, _EW), lambda i: (i, 0)),
        ],
        out_specs=[
            pl.BlockSpec((2, _XBLK, D), lambda i: (0, i, 0)),
            pl.BlockSpec((_EBLK, _EW), lambda i: (i, 0)),
        ],
        out_shape=[
            jax.ShapeDtypeStruct((2, N, D), jnp.float32),
            jax.ShapeDtypeStruct((E // _EW, _EW), jnp.int32),
        ],
    )(x, w, ei2d, ei2d, ef2d)


def _combine_body(p_ref, out_ref):
    out_ref[...] = p_ref[0] + p_ref[1]


def _combine(partials):
    return pl.pallas_call(
        _combine_body,
        grid=(_CGRID,),
        in_specs=[pl.BlockSpec((2, _CBLK, D), lambda i: (0, i, 0))],
        out_specs=pl.BlockSpec((_CBLK, D), lambda i: (i, 0)),
        out_shape=jax.ShapeDtypeStruct((N, D), jnp.float32),
    )(partials)


def _sc_edge_body(emb_hbm, pk_hbm, out_hbm,
                  acc, ring, gidx4, didx4, rows, gsem, ssem, stgsem, zsem):
    c = lax.axis_index("c")
    s = lax.axis_index("s")
    wid = c * NS + s
    ebase = wid * EPT
    zero16 = jnp.zeros((16,), jnp.float32)

    def stage_desc(chunk, slot):
        return pltpu.make_async_copy(
            pk_hbm.at[pl.ds(ebase + chunk * CH, CH)],
            ring.at[pl.ds(slot * CH, CH)], stgsem)

    stage_desc(0, 0).start()
    stage_desc(1, 1).start()

    def zrow(i, _):
        for jj in range(D // 16):
            rows[i, pl.ds(jj * 16, 16)] = zero16
        return ()

    lax.fori_loop(0, 2 * BK, zrow, (), unroll=False)
    rbase = s * RPT

    @pl.when(s < NS - 1)
    def _():
        for k in range(4):
            pltpu.async_copy(rows.at[pl.ds(0, 160)],
                             acc.at[pl.ds(rbase + k * 160, 160)], zsem)
        for k in range(4):
            pltpu.make_async_copy(rows.at[pl.ds(0, 160)],
                                  acc.at[pl.ds(rbase + k * 160, 160)],
                                  zsem).wait()

    @pl.when(s == NS - 1)
    def _():
        for k in range(2):
            pltpu.async_copy(rows.at[pl.ds(0, 160)],
                             acc.at[pl.ds(rbase + k * 160, 160)], zsem)
        pltpu.async_copy(rows.at[pl.ds(0, 80)],
                         acc.at[pl.ds(rbase + 320, 80)], zsem)
        for k in range(2):
            pltpu.make_async_copy(rows.at[pl.ds(0, 160)],
                                  acc.at[pl.ds(rbase + k * 160, 160)],
                                  zsem).wait()
        pltpu.make_async_copy(rows.at[pl.ds(0, 80)],
                              acc.at[pl.ds(rbase + 320, 80)], zsem).wait()

    def unpack(b, q):
        chunk = lax.div(b, BPC)
        slot = lax.rem(chunk, 2)
        pos = lax.rem(b, BPC)
        base = slot * CH + pos * BK
        for j in range(BK // 16):
            p = ring[pl.ds(base + j * 16, 16)]
            gidx4[q, pl.ds(j * 16, 16)] = lax.bitwise_and(p, jnp.int32(0xFFFF))
            didx4[q, pl.ds(j * 16, 16)] = lax.shift_right_logical(p, 16)

    def g_start(b, q):
        pltpu.async_copy(emb_hbm.at[gidx4.at[q]],
                         rows.at[pl.ds(q * BK, BK)], gsem)

    def g_wait(q):
        pltpu.make_async_copy(emb_hbm.at[gidx4.at[q]],
                              rows.at[pl.ds(q * BK, BK)], gsem).wait()

    def s_start(q):
        pltpu.async_copy(rows.at[pl.ds(q * BK, BK)], acc.at[didx4.at[q]],
                         ssem, add=True)

    def s_wait(q):
        pltpu.make_async_copy(rows.at[pl.ds(q * BK, BK)],
                              acc.at[didx4.at[q]], ssem).wait()

    stage_desc(0, 0).wait()
    for pb in range(3):
        unpack(pb, pb)
        g_start(pb, pb)
    plsc.subcore_barrier()

    def batch(b, _):
        q = lax.rem(b, NBUF)
        chunk = lax.div(b, BPC)
        pos = lax.rem(b, BPC)

        @pl.when(b < NB)
        def _():
            @pl.when(b >= NBUF)
            def _():
                s_wait(q)

            @pl.when(pos == 0)
            def _():
                stage_desc(chunk, lax.rem(chunk, 2)).wait()

            unpack(b, q)
            g_start(b, q)

            @pl.when((pos == BPC - 1) & (chunk < NCH - 2))
            def _():
                stage_desc(chunk + 2, lax.rem(chunk, 2)).start()

        pq = lax.rem(b - 3, NBUF)
        g_wait(pq)
        s_start(pq)
        return ()

    lax.fori_loop(3, NB + 3, batch, (), unroll=2)

    for t in range(NB - 4, NB):
        s_wait(t % NBUF)

    plsc.subcore_barrier()

    @pl.when(s < NS - 1)
    def _():
        pltpu.sync_copy(acc.at[pl.ds(rbase, RPT)],
                        out_hbm.at[c, pl.ds(rbase, RPT)])

    @pl.when(s == NS - 1)
    def _():
        pltpu.sync_copy(acc.at[pl.ds(rbase, 400)],
                        out_hbm.at[c, pl.ds(rbase, 400)])


@functools.partial(jax.jit, static_argnames=())
def _sc_edge(embcat, packed):
    mesh = plsc.VectorSubcoreMesh(core_axis_name="c", subcore_axis_name="s")
    f = pl.kernel(
        _sc_edge_body,
        out_type=jax.ShapeDtypeStruct((NC, N, D), jnp.float32),
        mesh=mesh,
        scratch_types=[
            pltpu.VMEM_SHARED((N, D), jnp.float32),
            pltpu.VMEM((2 * CH,), jnp.int32),
            pltpu.VMEM((NBUF, BK), jnp.int32),
            pltpu.VMEM((NBUF, BK), jnp.int32),
            pltpu.VMEM((NBUF * BK, D), jnp.float32),
            pltpu.SemaphoreType.DMA,
            pltpu.SemaphoreType.DMA,
            pltpu.SemaphoreType.DMA,
            pltpu.SemaphoreType.DMA,
        ],
    )
    return f(embcat, packed)


def kernel(graph_embedding, edge_index, e_feat, W):
    assert graph_embedding.shape == (N, D)
    ei2d = edge_index.astype(jnp.int32).reshape(2 * E // _EW, _EW)
    ef2d = e_feat.astype(jnp.int32).reshape(E // _EW, _EW)
    embcat3, pk2d = _prep(graph_embedding, W, ei2d, ef2d)
    embcat = embcat3.reshape(2 * N, D)
    partials = _sc_edge(embcat, pk2d.reshape(E))
    return _combine(partials)

# --- scband reference (transcript-rebuilt; emitter-appended) ---
"""Pipeline reference for scband-freebase-des-hnode-prompt-layer-feature-weighted-sum-21534966022311 (READ-ONLY COPY).

The authoritative reference and input builder live on the scoring server;
editing this copy changes nothing except your own understanding.
"""

import jax, jax.numpy as jnp
import numpy as np

N = 10000
E = 320000
D = 128


def setup_inputs(seed: int = 0) -> dict:
    key = jax.random.key(seed)
    k1, k2, k3, k4 = jax.random.split(key, 4)
    graph_embedding = jax.random.normal(k1, (N, D), dtype=jnp.float32)
    edge_index = jax.random.randint(k2, (2, E), 0, N)
    e_feat = jax.random.randint(k3, (E,), 0, 31)
    # xavier_uniform init for weight of shape (1, D): fan_in=D, fan_out=1 per torch convention on (1, D) -> fan_in=D, fan_out=1
    bound = float(np.sqrt(6.0 / (D + 1)))
    W = jax.random.uniform(k4, (1, D), dtype=jnp.float32, minval=-bound, maxval=bound)
    return {"graph_embedding": graph_embedding, "edge_index": edge_index, "e_feat": e_feat, "W": W}


def reference(graph_embedding, edge_index, e_feat, W):
    # e_feat reshaped to (-1, 1) float, as in torch forward
    e = e_feat.reshape(-1, 1).astype(jnp.float32)
    # emb = emb0 = emb1 = emb2 = emb3 = elu(graph_embedding * weight)
    emb = jax.nn.elu(graph_embedding * W)
    src = edge_index[0]
    dst = edge_index[1]
    # edges.src['ft'] etc. -- gather source node features per edge
    ft = jnp.take(emb, src, axis=0)
    zeros = jnp.zeros_like(ft)
    res = ft
    # message_func: add masked copies for edge types 0, 6, 14, 30
    for etype in (0.0, 6.0, 14.0, 30.0):
        _mask = (e == etype)  # (E, 1)
        mask = jnp.broadcast_to(_mask, ft.shape)
        msg = jnp.where(mask, ft, zeros)
        res = res + msg
    # update_all with fn.sum('m', 'ft'): scatter-add messages to dst nodes
    out = jax.ops.segment_sum(res, dst, num_segments=N)
    return out

if __name__ == "__main__":
    import jax
    _d = setup_inputs()
    print(jax.jit(kernel)(*tuple(_d.values())))

</pallas_src>

<mosaic_0001>
#map = affine_map<(d0, d1) -> (0, 0)>
#map1 = affine_map<(d0, d1) -> (0)>
#map2 = affine_map<(d0, d1) -> (0, 0, 0)>
module attributes {stable_mosaic.version = 14 : i64} {
  func.func @_sc_edge_body(%arg0: i32, %arg1: i32, %arg2: memref<20000x128xf32, #tpu.memory_space<hbm>>, %arg3: memref<320000xi32, #tpu.memory_space<hbm>>, %arg4: memref<2x10000x128xf32, #tpu.memory_space<hbm>>, %arg5: memref<10000x128xf32, #tpu.memory_space<vmem_shared>>, %arg6: memref<4000xi32, #tpu.memory_space<vmem>>, %arg7: memref<4x80xi32, #tpu.memory_space<vmem>>, %arg8: memref<4x80xi32, #tpu.memory_space<vmem>>, %arg9: memref<320x128xf32, #tpu.memory_space<vmem>>, %arg10: memref<!tpu.dma_semaphore, #tpu.memory_space<semaphore_mem>>, %arg11: memref<!tpu.dma_semaphore, #tpu.memory_space<semaphore_mem>>, %arg12: memref<!tpu.dma_semaphore, #tpu.memory_space<semaphore_mem>>, %arg13: memref<!tpu.dma_semaphore, #tpu.memory_space<semaphore_mem>>) attributes {dimension_semantics = [#tpu.dimension_semantics<core_parallel>, #tpu.dimension_semantics<subcore_parallel>], iteration_bounds = array<i64: 2, 16>, scalar_prefetch = 0 : i64, scratch_operands = 9 : i64, tpu.core_type = #tpu.core_type<sc_vector_subcore>, window_params = [{transform_indices = #map}, {transform_indices = #map1}, {transform_indices = #map2}]} {
    %mul3A = arith.constant 16 : i32
    %mul3A_0 = arith.muli %arg0, %mul3A : i32
    %add3A = arith.addi %mul3A_0, %arg1 : i32
    %mul3A_1 = arith.constant 10000 : i32
    %mul3A_2 = arith.muli %add3A, %mul3A_1 : i32
    %broadcast_in_dim3A = arith.constant 0.000000e+00 : f32
    %broadcast_in_dim3A_3 = vector.broadcast %broadcast_in_dim3A : f32 to vector<16xf32>
    %add3A_4 = arith.constant 0 : i32
    %add3A_5 = arith.addi %mul3A_2, %add3A_4 : i32
    %dma_start3A = arith.constant 0 : i32
    %dma_start3A_6 = tpu.memref_slice %arg6[%dma_start3A] : memref<4000xi32, #tpu.memory_space<vmem>> -> memref<2000xi32, #tpu.memory_space<vmem>>
    %dma_start3A_7 = tpu.memref_slice %arg3[%add3A_5] : memref<320000xi32, #tpu.memory_space<hbm>> -> memref<2000xi32, #tpu.memory_space<hbm>>
    %dma_start3A_8 = arith.constant 0 : i32
    %dma_start3A_9 = tpu.memref_slice %arg6[%dma_start3A_8] : memref<4000xi32, #tpu.memory_space<vmem>> -> memref<2000xi32, #tpu.memory_space<vmem>>
    %dma_start3A_10 = tpu.memref_slice %arg3[%add3A_5] : memref<320000xi32, #tpu.memory_space<hbm>> -> memref<2000xi32, #tpu.memory_space<hbm>>
    tpu.enqueue_dma source(%dma_start3A_10 : memref<2000xi32, #tpu.memory_space<hbm>>) target(%dma_start3A_9 : memref<2000xi32, #tpu.memory_space<vmem>>) target_semaphore(%arg12 : memref<!tpu.dma_semaphore, #tpu.memory_space<semaphore_mem>>)
    %add3A_11 = arith.constant 2000 : i32
    %add3A_12 = arith.addi %mul3A_2, %add3A_11 : i32
    %dma_start3A_13 = arith.constant 2000 : i32
    %dma_start3A_14 = tpu.memref_slice %arg6[%dma_start3A_13] : memref<4000xi32, #tpu.memory_space<vmem>> -> memref<2000xi32, #tpu.memory_space<vmem>>
    %dma_start3A_15 = tpu.memref_slice %arg3[%add3A_12] : memref<320000xi32, #tpu.memory_space<hbm>> -> memref<2000xi32, #tpu.memory_space<hbm>>
    %dma_start3A_16 = arith.constant 2000 : i32
    %dma_start3A_17 = tpu.memref_slice %arg6[%dma_start3A_16] : memref<4000xi32, #tpu.memory_space<vmem>> -> memref<2000xi32, #tpu.memory_space<vmem>>
    %dma_start3A_18 = tpu.memref_slice %arg3[%add3A_12] : memref<320000xi32, #tpu.memory_space<hbm>> -> memref<2000xi32, #tpu.memory_space<hbm>>
    tpu.enqueue_dma source(%dma_start3A_18 : memref<2000xi32, #tpu.memory_space<hbm>>) target(%dma_start3A_17 : memref<2000xi32, #tpu.memory_space<vmem>>) target_semaphore(%arg12 : memref<!tpu.dma_semaphore, #tpu.memory_space<semaphore_mem>>)
    %scan3A = arith.constant 0 : i32
    %scan3A_19 = arith.constant 160 : i32
    %scan3A_20 = arith.addi %scan3A, %scan3A_19 : i32
    %scan3A_21 = arith.constant 1 : i32
    scf.for %scan3A_538 = %scan3A to %scan3A_20 step %scan3A_21  : i32 {
      %swap3A_539 = arith.index_cast %scan3A_538 : i32 to index
      %swap3A_540 = arith.constant 0 : index
      %swap3A_541 = tpu.vector_load %arg9[%swap3A_539, %swap3A_540] {strides = array<i32>} : memref<320x128xf32, #tpu.memory_space<vmem>>, vector<1x16xf32>,
      %swap3A_542 = vector.shape_cast %swap3A_541 : vector<1x16xf32> to vector<16xf32>
      %swap3A_543 = vector.shape_cast %broadcast_in_dim3A_3 : vector<16xf32> to vector<1x16xf32>
      tpu.vector_store %arg9[%swap3A_539, %swap3A_540], %swap3A_543 {strides = array<i32>} : memref<320x128xf32, #tpu.memory_space<vmem>>, vector<1x16xf32>,
      %swap3A_544 = arith.index_cast %scan3A_538 : i32 to index
      %swap3A_545 = arith.constant 16 : index
      %swap3A_546 = tpu.vector_load %arg9[%swap3A_544, %swap3A_545] {strides = array<i32>} : memref<320x128xf32, #tpu.memory_space<vmem>>, vector<1x16xf32>,
      %swap3A_547 = vector.shape_cast %swap3A_546 : vector<1x16xf32> to vector<16xf32>
      %swap3A_548 = vector.shape_cast %broadcast_in_dim3A_3 : vector<16xf32> to vector<1x16xf32>
      tpu.vector_store %arg9[%swap3A_544, %swap3A_545], %swap3A_548 {strides = array<i32>} : memref<320x128xf32, #tpu.memory_space<vmem>>, vector<1x16xf32>,
      %swap3A_549 = arith.index_cast %scan3A_538 : i32 to index
      %swap3A_550 = arith.constant 32 : index
      %swap3A_551 = tpu.vector_load %arg9[%swap3A_549, %swap3A_550] {strides = array<i32>} : memref<320x128xf32, #tpu.memory_space<vmem>>, vector<1x16xf32>,
      %swap3A_552 = vector.shape_cast %swap3A_551 : vector<1x16xf32> to vector<16xf32>
      %swap3A_553 = vector.shape_cast %broadcast_in_dim3A_3 : vector<16xf32> to vector<1x16xf32>
      tpu.vector_store %arg9[%swap3A_549, %swap3A_550], %swap3A_553 {strides = array<i32>} : memref<320x128xf32, #tpu.memory_space<vmem>>, vector<1x16xf32>,
      %swap3A_554 = arith.index_cast %scan3A_538 : i32 to index
      %swap3A_555 = arith.constant 48 : index
      %swap3A_556 = tpu.vector_load %arg9[%swap3A_554, %swap3A_555] {strides = array<i32>} : memref<320x128xf32, #tpu.memory_space<vmem>>, vector<1x16xf32>,
      %swap3A_557 = vector.shape_cast %swap3A_556 : vector<1x16xf32> to vector<16xf32>
      %swap3A_558 = vector.shape_cast %broadcast_in_dim3A_3 : vector<16xf32> to vector<1x16xf32>
      tpu.vector_store %arg9[%swap3A_554, %swap3A_555], %swap3A_558 {strides = array<i32>} : memref<320x128xf32, #tpu.memory_space<vmem>>, vector<1x16xf32>,
      %swap3A_559 = arith.index_cast %scan3A_538 : i32 to index
      %swap3A_560 = arith.constant 64 : index
      %swap3A_561 = tpu.vector_load %arg9[%swap3A_559, %swap3A_560] {strides = array<i32>} : memref<320x128xf32, #tpu.memory_space<vmem>>, vector<1x16xf32>,
      %swap3A_562 = vector.shape_cast %swap3A_561 : vector<1x16xf32> to vector<16xf32>
      %swap3A_563 = vector.shape_cast %broadcast_in_dim3A_3 : vector<16xf32> to vector<1x16xf32>
      tpu.vector_store %arg9[%swap3A_559, %swap3A_560], %swap3A_563 {strides = array<i32>} : memref<320x128xf32, #tpu.memory_space<vmem>>, vector<1x16xf32>,
      %swap3A_564 = arith.index_cast %scan3A_538 : i32 to index
      %swap3A_565 = arith.constant 80 : index
      %swap3A_566 = tpu.vector_load %arg9[%swap3A_564, %swap3A_565] {strides = array<i32>} : memref<320x128xf32, #tpu.memory_space<vmem>>, vector<1x16xf32>,
      %swap3A_567 = vector.shape_cast %swap3A_566 : vector<1x16xf32> to vector<16xf32>
      %swap3A_568 = vector.shape_cast %broadcast_in_dim3A_3 : vector<16xf32> to vector<1x16xf32>
      tpu.vector_store %arg9[%swap3A_564, %swap3A_565], %swap3A_568 {strides = array<i32>} : memref<320x128xf32, #tpu.memory_space<vmem>>, vector<1x16xf32>,
      %swap3A_569 = arith.index_cast %scan3A_538 : i32 to index
      %swap3A_570 = arith.constant 96 : index
      %swap3A_571 = tpu.vector_load %arg9[%swap3A_569, %swap3A_570] {strides = array<i32>} : memref<320x128xf32, #tpu.memory_space<vmem>>, vector<1x16xf32>,
      %swap3A_572 = vector.shape_cast %swap3A_571 : vector<1x16xf32> to vector<16xf32>
      %swap3A_573 = vector.shape_cast %broadcast_in_dim3A_3 : vector<16xf32> to vector<1x16xf32>
      tpu.vector_store %arg9[%swap3A_569, %swap3A_570], %swap3A_573 {strides = array<i32>} : memref<320x128xf32, #tpu.memory_space<vmem>>, vector<1x16xf32>,
      %swap3A_574 = arith.index_cast %scan3A_538 : i32 to index
      %swap3A_575 = arith.constant 112 : index
      %swap3A_576 = tpu.vector_load %arg9[%swap3A_574, %swap3A_575] {strides = array<i32>} : memref<320x128xf32, #tpu.memory_space<vmem>>, vector<1x16xf32>,
      %swap3A_577 = vector.shape_cast %swap3A_576 : vector<1x16xf32> to vector<16xf32>
      %swap3A_578 = vector.shape_cast %broadcast_in_dim3A_3 : vector<16xf32> to vector<1x16xf32>
      tpu.vector_store %arg9[%swap3A_574, %swap3A_575], %swap3A_578 {strides = array<i32>} : memref<320x128xf32, #tpu.memory_space<vmem>>, vector<1x16xf32>,
    }
    %scan3A_22 = arith.constant 160 : i32
    %mul3A_23 = arith.constant 640 : i32
    %mul3A_24 = arith.muli %arg1, %mul3A_23 : i32
    %lt3A = arith.constant 15 : i32
    %lt3A_25 = arith.cmpi slt, %arg1, %lt3A : i32
    %convert_element_type3A = arith.extui %lt3A_25 : i1 to i32
    %cond3A = arith.constant 0 : i32
    %cond3A_26 = arith.cmpi ne, %convert_element_type3A, %cond3A : i32
    scf.if %cond3A_26 {
      %add3A_538 = arith.constant 0 : i32
      %add3A_539 = arith.addi %mul3A_24, %add3A_538 : i32
      %dma_start3A_540 = arith.constant 0 : i32
      %dma_start3A_541 = arith.constant 0 : i32
      %dma_start3A_542 = tpu.memref_slice %arg9[%dma_start3A_540, %dma_start3A_541] : memref<320x128xf32, #tpu.memory_space<vmem>> -> memref<160x128xf32, #tpu.memory_space<vmem>>
      %dma_start3A_543 = arith.constant 0 : i32
      %dma_start3A_544 = tpu.memref_slice %arg5[%add3A_539, %dma_start3A_543] : memref<10000x128xf32, #tpu.memory_space<vmem_shared>> -> memref<160x128xf32, #tpu.memory_space<vmem_shared>>
      %dma_start3A_545 = arith.constant 0 : i32
      %dma_start3A_546 = tpu.memref_slice %arg5[%add3A_539, %dma_start3A_545] : memref<10000x128xf32, #tpu.memory_space<vmem_shared>> -> memref<160x128xf32, #tpu.memory_space<vmem_shared>>
      %dma_start3A_547 = arith.constant 0 : i32
      %dma_start3A_548 = arith.constant 0 : i32
      %dma_start3A_549 = tpu.memref_slice %arg9[%dma_start3A_547, %dma_start3A_548] : memref<320x128xf32, #tpu.memory_space<vmem>> -> memref<160x128xf32, #tpu.memory_space<vmem>>
      tpu.enqueue_dma source(%dma_start3A_549 : memref<160x128xf32, #tpu.memory_space<vmem>>) target(%dma_start3A_546 : memref<160x128xf32, #tpu.memory_space<vmem_shared>>) target_semaphore(%arg13 : memref<!tpu.dma_semaphore, #tpu.memory_space<semaphore_mem>>)
      %add3A_550 = arith.constant 160 : i32
      %add3A_551 = arith.addi %mul3A_24, %add3A_550 : i32
      %dma_start3A_552 = arith.constant 0 : i32
      %dma_start3A_553 = arith.constant 0 : i32
      %dma_start3A_554 = tpu.memref_slice %arg9[%dma_start3A_552, %dma_start3A_553] : memref<320x128xf32, #tpu.memory_space<vmem>> -> memref<160x128xf32, #tpu.memory_space<vmem>>
      %dma_start3A_555 = arith.constant 0 : i32
      %dma_start3A_556 = tpu.memref_slice %arg5[%add3A_551, %dma_start3A_555] : memref<10000x128xf32, #tpu.memory_space<vmem_shared>> -> memref<160x128xf32, #tpu.memory_space<vmem_shared>>
      %dma_start3A_557 = arith.constant 0 : i32
      %dma_start3A_558 = tpu.memref_slice %arg5[%add3A_551, %dma_start3A_557] : memref<10000x128xf32, #tpu.memory_space<vmem_shared>> -> memref<160x128xf32, #tpu.memory_space<vmem_shared>>
      %dma_start3A_559 = arith.constant 0 : i32
      %dma_start3A_560 = arith.constant 0 : i32
      %dma_start3A_561 = tpu.memref_slice %arg9[%dma_start3A_559, %dma_start3A_560] : memref<320x128xf32, #tpu.memory_space<vmem>> -> memref<160x128xf32, #tpu.memory_space<vmem>>
      tpu.enqueue_dma source(%dma_start3A_561 : memref<160x128xf32, #tpu.memory_space<vmem>>) target(%dma_start3A_558 : memref<160x128xf32, #tpu.memory_space<vmem_shared>>) target_semaphore(%arg13 : memref<!tpu.dma_semaphore, #tpu.memory_space<semaphore_mem>>)
      %add3A_562 = arith.constant 320 : i32
      %add3A_563 = arith.addi %mul3A_24, %add3A_562 : i32
      %dma_start3A_564 = arith.constant 0 : i32
      %dma_start3A_565 = arith.constant 0 : i32
      %dma_start3A_566 = tpu.memref_slice %arg9[%dma_start3A_564, %dma_start3A_565] : memref<320x128xf32, #tpu.memory_space<vmem>> -> memref<160x128xf32, #tpu.memory_space<vmem>>
      %dma_start3A_567 = arith.constant 0 : i32
      %dma_start3A_568 = tpu.memref_slice %arg5[%add3A_563, %dma_start3A_567] : memref<10000x128xf32, #tpu.memory_space<vmem_shared>> -> memref<160x128xf32, #tpu.memory_space<vmem_shared>>
      %dma_start3A_569 = arith.constant 0 : i32
      %dma_start3A_570 = tpu.memref_slice %arg5[%add3A_563, %dma_start3A_569] : memref<10000x128xf32, #tpu.memory_space<vmem_shared>> -> memref<160x128xf32, #tpu.memory_space<vmem_shared>>
      %dma_start3A_571 = arith.constant 0 : i32
      %dma_start3A_572 = arith.constant 0 : i32
      %dma_start3A_573 = tpu.memref_slice %arg9[%dma_start3A_571, %dma_start3A_572] : memref<320x128xf32, #tpu.memory_space<vmem>> -> memref<160x128xf32, #tpu.memory_space<vmem>>
      tpu.enqueue_dma source(%dma_start3A_573 : memref<160x128xf32, #tpu.memory_space<vmem>>) target(%dma_start3A_570 : memref<160x128xf32, #tpu.memory_space<vmem_shared>>) target_semaphore(%arg13 : memref<!tpu.dma_semaphore, #tpu.memory_space<semaphore_mem>>)
      %add3A_574 = arith.constant 480 : i32
      %add3A_575 = arith.addi %mul3A_24, %add3A_574 : i32
      %dma_start3A_576 = arith.constant 0 : i32
      %dma_start3A_577 = arith.constant 0 : i32
      %dma_start3A_578 = tpu.memref_slice %arg9[%dma_start3A_576, %dma_start3A_577] : memref<320x128xf32, #tpu.memory_space<vmem>> -> memref<160x128xf32, #tpu.memory_space<vmem>>
      %dma_start3A_579 = arith.constant 0 : i32
      %dma_start3A_580 = tpu.memref_slice %arg5[%add3A_575, %dma_start3A_579] : memref<10000x128xf32, #tpu.memory_space<vmem_shared>> -> memref<160x128xf32, #tpu.memory_space<vmem_shared>>
      %dma_start3A_581 = arith.constant 0 : i32
      %dma_start3A_582 = tpu.memref_slice %arg5[%add3A_575, %dma_start3A_581] : memref<10000x128xf32, #tpu.memory_space<vmem_shared>> -> memref<160x128xf32, #tpu.memory_space<vmem_shared>>
      %dma_start3A_583 = arith.constant 0 : i32
      %dma_start3A_584 = arith.constant 0 : i32
      %dma_start3A_585 = tpu.memref_slice %arg9[%dma_start3A_583, %dma_start3A_584] : memref<320x128xf32, #tpu.memory_space<vmem>> -> memref<160x128xf32, #tpu.memory_space<vmem>>
      tpu.enqueue_dma source(%dma_start3A_585 : memref<160x128xf32, #tpu.memory_space<vmem>>) target(%dma_start3A_582 : memref<160x128xf32, #tpu.memory_space<vmem_shared>>) target_semaphore(%arg13 : memref<!tpu.dma_semaphore, #tpu.memory_space<semaphore_mem>>)
      %add3A_586 = arith.constant 0 : i32
      %add3A_587 = arith.addi %mul3A_24, %add3A_586 : i32
      %dma_wait3A_588 = arith.constant 0 : i32
      %dma_wait3A_589 = arith.constant 0 : i32
      %dma_wait3A_590 = tpu.memref_slice %arg9[%dma_wait3A_588, %dma_wait3A_589] : memref<320x128xf32, #tpu.memory_space<vmem>> -> memref<160x128xf32, #tpu.memory_space<vmem>>
      %dma_wait3A_591 = arith.constant 0 : i32
      %dma_wait3A_592 = tpu.memref_slice %arg5[%add3A_587, %dma_wait3A_591] : memref<10000x128xf32, #tpu.memory_space<vmem_shared>> -> memref<160x128xf32, #tpu.memory_space<vmem_shared>>
      %dma_wait3A_593 = arith.constant 0 : i32
      %dma_wait3A_594 = tpu.memref_slice %arg5[%add3A_587, %dma_wait3A_593] : memref<10000x128xf32, #tpu.memory_space<vmem_shared>> -> memref<160x128xf32, #tpu.memory_space<vmem_shared>>
      %dma_wait3A_595 = arith.constant 0 : i32
      %dma_wait3A_596 = arith.constant 0 : i32
      %dma_wait3A_597 = tpu.memref_slice %arg9[%dma_wait3A_595, %dma_wait3A_596] : memref<320x128xf32, #tpu.memory_space<vmem>> -> memref<160x128xf32, #tpu.memory_space<vmem>>
      tpu.wait_dma2 semaphore(%arg13 : memref<!tpu.dma_semaphore, #tpu.memory_space<semaphore_mem>>) src(%dma_wait3A_597 : memref<160x128xf32, #tpu.memory_space<vmem>>) dst(%dma_wait3A_594 : memref<160x128xf32, #tpu.memory_space<vmem_shared>>)
      %add3A_598 = arith.constant 160 : i32
      %add3A_599 = arith.addi %mul3A_24, %add3A_598 : i32
      %dma_wait3A_600 = arith.constant 0 : i32
      %dma_wait3A_601 = arith.constant 0 : i32
      %dma_wait3A_602 = tpu.memref_slice %arg9[%dma_wait3A_600, %dma_wait3A_601] : memref<320x128xf32, #tpu.memory_space<vmem>> -> memref<160x128xf32, #tpu.memory_space<vmem>>
      %dma_wait3A_603 = arith.constant 0 : i32
      %dma_wait3A_604 = tpu.memref_slice %arg5[%add3A_599, %dma_wait3A_603] : memref<10000x128xf32, #tpu.memory_space<vmem_shared>> -> memref<160x128xf32, #tpu.memory_space<vmem_shared>>
      %dma_wait3A_605 = arith.constant 0 : i32
      %dma_wait3A_606 = tpu.memref_slice %arg5[%add3A_599, %dma_wait3A_605] : memref<10000x128xf32, #tpu.memory_space<vmem_shared>> -> memref<160x128xf32, #tpu.memory_space<vmem_shared>>
      %dma_wait3A_607 = arith.constant 0 : i32
      %dma_wait3A_608 = arith.constant 0 : i32
      %dma_wait3A_609 = tpu.memref_slice %arg9[%dma_wait3A_607, %dma_wait3A_608] : memref<320x128xf32, #tpu.memory_space<vmem>> -> memref<160x128xf32, #tpu.memory_space<vmem>>
      tpu.wait_dma2 semaphore(%arg13 : memref<!tpu.dma_semaphore, #tpu.memory_space<semaphore_mem>>) src(%dma_wait3A_609 : memref<160x128xf32, #tpu.memory_space<vmem>>) dst(%dma_wait3A_606 : memref<160x128xf32, #tpu.memory_space<vmem_shared>>)
      %add3A_610 = arith.constant 320 : i32
      %add3A_611 = arith.addi %mul3A_24, %add3A_610 : i32
      %dma_wait3A_612 = arith.constant 0 : i32
      %dma_wait3A_613 = arith.constant 0 : i32
      %dma_wait3A_614 = tpu.memref_slice %arg9[%dma_wait3A_612, %dma_wait3A_613] : memref<320x128xf32, #tpu.memory_space<vmem>> -> memref<160x128xf32, #tpu.memory_space<vmem>>
      %dma_wait3A_615 = arith.constant 0 : i32
      %dma_wait3A_616 = tpu.memref_slice %arg5[%add3A_611, %dma_wait3A_615] : memref<10000x128xf32, #tpu.memory_space<vmem_shared>> -> memref<160x128xf32, #tpu.memory_space<vmem_shared>>
      %dma_wait3A_617 = arith.constant 0 : i32
      %dma_wait3A_618 = tpu.memref_slice %arg5[%add3A_611, %dma_wait3A_617] : memref<10000x128xf32, #tpu.memory_space<vmem_shared>> -> memref<160x128xf32, #tpu.memory_space<vmem_shared>>
      %dma_wait3A_619 = arith.constant 0 : i32
      %dma_wait3A_620 = arith.constant 0 : i32
      %dma_wait3A_621 = tpu.memref_slice %arg9[%dma_wait3A_619, %dma_wait3A_620] : memref<320x128xf32, #tpu.memory_space<vmem>> -> memref<160x128xf32, #tpu.memory_space<vmem>>
      tpu.wait_dma2 semaphore(%arg13 : memref<!tpu.dma_semaphore, #tpu.memory_space<semaphore_mem>>) src(%dma_wait3A_621 : memref<160x128xf32, #tpu.memory_space<vmem>>) dst(%dma_wait3A_618 : memref<160x128xf32, #tpu.memory_space<vmem_shared>>)
      %add3A_622 = arith.constant 480 : i32
      %add3A_623 = arith.addi %mul3A_24, %add3A_622 : i32
      %dma_wait3A_624 = arith.constant 0 : i32
      %dma_wait3A_625 = arith.constant 0 : i32
      %dma_wait3A_626 = tpu.memref_slice %arg9[%dma_wait3A_624, %dma_wait3A_625] : memref<320x128xf32, #tpu.memory_space<vmem>> -> memref<160x128xf32, #tpu.memory_space<vmem>>
      %dma_wait3A_627 = arith.constant 0 : i32
      %dma_wait3A_628 = tpu.memref_slice %arg5[%add3A_623, %dma_wait3A_627] : memref<10000x128xf32, #tpu.memory_space<vmem_shared>> -> memref<160x128xf32, #tpu.memory_space<vmem_shared>>
      %dma_wait3A_629 = arith.constant 0 : i32
      %dma_wait3A_630 = tpu.memref_slice %arg5[%add3A_623, %dma_wait3A_629] : memref<10000x128xf32, #tpu.memory_space<vmem_shared>> -> memref<160x128xf32, #tpu.memory_space<vmem_shared>>
      %dma_wait3A_631 = arith.constant 0 : i32
      %dma_wait3A_632 = arith.constant 0 : i32
      %dma_wait3A_633 = tpu.memref_slice %arg9[%dma_wait3A_631, %dma_wait3A_632] : memref<320x128xf32, #tpu.memory_space<vmem>> -> memref<160x128xf32, #tpu.memory_space<vmem>>
      tpu.wait_dma2 semaphore(%arg13 : memref<!tpu.dma_semaphore, #tpu.memory_space<semaphore_mem>>) src(%dma_wait3A_633 : memref<160x128xf32, #tpu.memory_space<vmem>>) dst(%dma_wait3A_630 : memref<160x128xf32, #tpu.memory_space<vmem_shared>>)
    } else {
    }
    %eq3A = arith.constant 15 : i32
    %eq3A_27 = arith.cmpi eq, %arg1, %eq3A : i32
    %convert_element_type3A_28 = arith.extui %eq3A_27 : i1 to i32
    %cond3A_29 = arith.constant 0 : i32
    %cond3A_30 = arith.cmpi ne, %convert_element_type3A_28, %cond3A_29 : i32
    scf.if %cond3A_30 {
      %add3A_538 = arith.constant 0 : i32
      %add3A_539 = arith.addi %mul3A_24, %add3A_538 : i32
      %dma_start3A_540 = arith.constant 0 : i32
      %dma_start3A_541 = arith.constant 0 : i32
      %dma_start3A_542 = tpu.memref_slice %arg9[%dma_start3A_540, %dma_start3A_541] : memref<320x128xf32, #tpu.memory_space<vmem>> -> memref<160x128xf32, #tpu.memory_space<vmem>>
      %dma_start3A_543 = arith.constant 0 : i32
      %dma_start3A_544 = tpu.memref_slice %arg5[%add3A_539, %dma_start3A_543] : memref<10000x128xf32, #tpu.memory_space<vmem_shared>> -> memref<160x128xf32, #tpu.memory_space<vmem_shared>>
      %dma_start3A_545 = arith.constant 0 : i32
      %dma_start3A_546 = tpu.memref_slice %arg5[%add3A_539, %dma_start3A_545] : memref<10000x128xf32, #tpu.memory_space<vmem_shared>> -> memref<160x128xf32, #tpu.memory_space<vmem_shared>>
      %dma_start3A_547 = arith.constant 0 : i32
      %dma_start3A_548 = arith.constant 0 : i32
      %dma_start3A_549 = tpu.memref_slice %arg9[%dma_start3A_547, %dma_start3A_548] : memref<320x128xf32, #tpu.memory_space<vmem>> -> memref<160x128xf32, #tpu.memory_space<vmem>>
      tpu.enqueue_dma source(%dma_start3A_549 : memref<160x128xf32, #tpu.memory_space<vmem>>) target(%dma_start3A_546 : memref<160x128xf32, #tpu.memory_space<vmem_shared>>) target_semaphore(%arg13 : memref<!tpu.dma_semaphore, #tpu.memory_space<semaphore_mem>>)
      %add3A_550 = arith.constant 160 : i32
      %add3A_551 = arith.addi %mul3A_24, %add3A_550 : i32
      %dma_start3A_552 = arith.constant 0 : i32
      %dma_start3A_553 = arith.constant 0 : i32
      %dma_start3A_554 = tpu.memref_slice %arg9[%dma_start3A_552, %dma_start3A_553] : memref<320x128xf32, #tpu.memory_space<vmem>> -> memref<160x128xf32, #tpu.memory_space<vmem>>
      %dma_start3A_555 = arith.constant 0 : i32
      %dma_start3A_556 = tpu.memref_slice %arg5[%add3A_551, %dma_start3A_555] : memref<10000x128xf32, #tpu.memory_space<vmem_shared>> -> memref<160x128xf32, #tpu.memory_space<vmem_shared>>
      %dma_start3A_557 = arith.constant 0 : i32
      %dma_start3A_558 = tpu.memref_slice %arg5[%add3A_551, %dma_start3A_557] : memref<10000x128xf32, #tpu.memory_space<vmem_shared>> -> memref<160x128xf32, #tpu.memory_space<vmem_shared>>
      %dma_start3A_559 = arith.constant 0 : i32
      %dma_start3A_560 = arith.constant 0 : i32
      %dma_start3A_561 = tpu.memref_slice %arg9[%dma_start3A_559, %dma_start3A_560] : memref<320x128xf32, #tpu.memory_space<vmem>> -> memref<160x128xf32, #tpu.memory_space<vmem>>
      tpu.enqueue_dma source(%dma_start3A_561 : memref<160x128xf32, #tpu.memory_space<vmem>>) target(%dma_start3A_558 : memref<160x128xf32, #tpu.memory_space<vmem_shared>>) target_semaphore(%arg13 : memref<!tpu.dma_semaphore, #tpu.memory_space<semaphore_mem>>)
      %add3A_562 = arith.constant 320 : i32
      %add3A_563 = arith.addi %mul3A_24, %add3A_562 : i32
      %dma_start3A_564 = arith.constant 0 : i32
      %dma_start3A_565 = arith.constant 0 : i32
      %dma_start3A_566 = tpu.memref_slice %arg9[%dma_start3A_564, %dma_start3A_565] : memref<320x128xf32, #tpu.memory_space<vmem>> -> memref<80x128xf32, #tpu.memory_space<vmem>>
      %dma_start3A_567 = arith.constant 0 : i32
      %dma_start3A_568 = tpu.memref_slice %arg5[%add3A_563, %dma_start3A_567] : memref<10000x128xf32, #tpu.memory_space<vmem_shared>> -> memref<80x128xf32, #tpu.memory_space<vmem_shared>>
      %dma_start3A_569 = arith.constant 0 : i32
      %dma_start3A_570 = tpu.memref_slice %arg5[%add3A_563, %dma_start3A_569] : memref<10000x128xf32, #tpu.memory_space<vmem_shared>> -> memref<80x128xf32, #tpu.memory_space<vmem_shared>>
      %dma_start3A_571 = arith.constant 0 : i32
      %dma_start3A_572 = arith.constant 0 : i32
      %dma_start3A_573 = tpu.memref_slice %arg9[%dma_start3A_571, %dma_start3A_572] : memref<320x128xf32, #tpu.memory_space<vmem>> -> memref<80x128xf32, #tpu.memory_space<vmem>>
      tpu.enqueue_dma source(%dma_start3A_573 : memref<80x128xf32, #tpu.memory_space<vmem>>) target(%dma_start3A_570 : memref<80x128xf32, #tpu.memory_space<vmem_shared>>) target_semaphore(%arg13 : memref<!tpu.dma_semaphore, #tpu.memory_space<semaphore_mem>>)
      %add3A_574 = arith.constant 0 : i32
      %add3A_575 = arith.addi %mul3A_24, %add3A_574 : i32
      %dma_wait3A_576 = arith.constant 0 : i32
      %dma_wait3A_577 = arith.constant 0 : i32
      %dma_wait3A_578 = tpu.memref_slice %arg9[%dma_wait3A_576, %dma_wait3A_577] : memref<320x128xf32, #tpu.memory_space<vmem>> -> memref<160x128xf32, #tpu.memory_space<vmem>>
      %dma_wait3A_579 = arith.constant 0 : i32
      %dma_wait3A_580 = tpu.memref_slice %arg5[%add3A_575, %dma_wait3A_579] : memref<10000x128xf32, #tpu.memory_space<vmem_shared>> -> memref<160x128xf32, #tpu.memory_space<vmem_shared>>
      %dma_wait3A_581 = arith.constant 0 : i32
      %dma_wait3A_582 = tpu.memref_slice %arg5[%add3A_575, %dma_wait3A_581] : memref<10000x128xf32, #tpu.memory_space<vmem_shared>> -> memref<160x128xf32, #tpu.memory_space<vmem_shared>>
      %dma_wait3A_583 = arith.constant 0 : i32
      %dma_wait3A_584 = arith.constant 0 : i32
      %dma_wait3A_585 = tpu.memref_slice %arg9[%dma_wait3A_583, %dma_wait3A_584] : memref<320x128xf32, #tpu.memory_space<vmem>> -> memref<160x128xf32, #tpu.memory_space<vmem>>
      tpu.wait_dma2 semaphore(%arg13 : memref<!tpu.dma_semaphore, #tpu.memory_space<semaphore_mem>>) src(%dma_wait3A_585 : memref<160x128xf32, #tpu.memory_space<vmem>>) dst(%dma_wait3A_582 : memref<160x128xf32, #tpu.memory_space<vmem_shared>>)
      %add3A_586 = arith.constant 160 : i32
      %add3A_587 = arith.addi %mul3A_24, %add3A_586 : i32
      %dma_wait3A_588 = arith.constant 0 : i32
      %dma_wait3A_589 = arith.constant 0 : i32
      %dma_wait3A_590 = tpu.memref_slice %arg9[%dma_wait3A_588, %dma_wait3A_589] : memref<320x128xf32, #tpu.memory_space<vmem>> -> memref<160x128xf32, #tpu.memory_space<vmem>>
      %dma_wait3A_591 = arith.constant 0 : i32
      %dma_wait3A_592 = tpu.memref_slice %arg5[%add3A_587, %dma_wait3A_591] : memref<10000x128xf32, #tpu.memory_space<vmem_shared>> -> memref<160x128xf32, #tpu.memory_space<vmem_shared>>
      %dma_wait3A_593 = arith.constant 0 : i32
      %dma_wait3A_594 = tpu.memref_slice %arg5[%add3A_587, %dma_wait3A_593] : memref<10000x128xf32, #tpu.memory_space<vmem_shared>> -> memref<160x128xf32, #tpu.memory_space<vmem_shared>>
      %dma_wait3A_595 = arith.constant 0 : i32
      %dma_wait3A_596 = arith.constant 0 : i32
      %dma_wait3A_597 = tpu.memref_slice %arg9[%dma_wait3A_595, %dma_wait3A_596] : memref<320x128xf32, #tpu.memory_space<vmem>> -> memref<160x128xf32, #tpu.memory_space<vmem>>
      tpu.wait_dma2 semaphore(%arg13 : memref<!tpu.dma_semaphore, #tpu.memory_space<semaphore_mem>>) src(%dma_wait3A_597 : memref<160x128xf32, #tpu.memory_space<vmem>>) dst(%dma_wait3A_594 : memref<160x128xf32, #tpu.memory_space<vmem_shared>>)
      %add3A_598 = arith.constant 320 : i32
      %add3A_599 = arith.addi %mul3A_24, %add3A_598 : i32
      %dma_wait3A_600 = arith.constant 0 : i32
      %dma_wait3A_601 = arith.constant 0 : i32
      %dma_wait3A_602 = tpu.memref_slice %arg9[%dma_wait3A_600, %dma_wait3A_601] : memref<320x128xf32, #tpu.memory_space<vmem>> -> memref<80x128xf32, #tpu.memory_space<vmem>>
      %dma_wait3A_603 = arith.constant 0 : i32
      %dma_wait3A_604 = tpu.memref_slice %arg5[%add3A_599, %dma_wait3A_603] : memref<10000x128xf32, #tpu.memory_space<vmem_shared>> -> memref<80x128xf32, #tpu.memory_space<vmem_shared>>
      %dma_wait3A_605 = arith.constant 0 : i32
      %dma_wait3A_606 = tpu.memref_slice %arg5[%add3A_599, %dma_wait3A_605] : memref<10000x128xf32, #tpu.memory_space<vmem_shared>> -> memref<80x128xf32, #tpu.memory_space<vmem_shared>>
      %dma_wait3A_607 = arith.constant 0 : i32
      %dma_wait3A_608 = arith.constant 0 : i32
      %dma_wait3A_609 = tpu.memref_slice %arg9[%dma_wait3A_607, %dma_wait3A_608] : memref<320x128xf32, #tpu.memory_space<vmem>> -> memref<80x128xf32, #tpu.memory_space<vmem>>
      tpu.wait_dma2 semaphore(%arg13 : memref<!tpu.dma_semaphore, #tpu.memory_space<semaphore_mem>>) src(%dma_wait3A_609 : memref<80x128xf32, #tpu.memory_space<vmem>>) dst(%dma_wait3A_606 : memref<80x128xf32, #tpu.memory_space<vmem_shared>>)
    } else {
    }
    %add3A_31 = arith.constant 0 : i32
    %add3A_32 = arith.addi %mul3A_2, %add3A_31 : i32
    %dma_wait3A = arith.constant 0 : i32
    %dma_wait3A_33 = tpu.memref_slice %arg6[%dma_wait3A] : memref<4000xi32, #tpu.memory_space<vmem>> -> memref<2000xi32, #tpu.memory_space<vmem>>
    %dma_wait3A_34 = tpu.memref_slice %arg3[%add3A_32] : memref<320000xi32, #tpu.memory_space<hbm>> -> memref<2000xi32, #tpu.memory_space<hbm>>
    %dma_wait3A_35 = arith.constant 0 : i32
    %dma_wait3A_36 = tpu.memref_slice %arg6[%dma_wait3A_35] : memref<4000xi32, #tpu.memory_space<vmem>> -> memref<2000xi32, #tpu.memory_space<vmem>>
    %dma_wait3A_37 = tpu.memref_slice %arg3[%add3A_32] : memref<320000xi32, #tpu.memory_space<hbm>> -> memref<2000xi32, #tpu.memory_space<hbm>>
    tpu.wait_dma2 semaphore(%arg12 : memref<!tpu.dma_semaphore, #tpu.memory_space<semaphore_mem>>) src(%dma_wait3A_37 : memref<2000xi32, #tpu.memory_space<hbm>>) dst(%dma_wait3A_36 : memref<2000xi32, #tpu.memory_space<vmem>>)
    %div3A = arith.constant 0 : i32
    %div3A_38 = arith.constant 25 : i32
    %div3A_39 = arith.divsi %div3A, %div3A_38 : i32
    %rem3A = arith.constant 2 : i32
    %rem3A_40 = arith.remsi %div3A_39, %rem3A : i32
    %rem3A_41 = arith.constant 0 : i32
    %rem3A_42 = arith.constant 25 : i32
    %rem3A_43 = arith.remsi %rem3A_41, %rem3A_42 : i32
    %mul3A_44 = arith.constant 2000 : i32
    %mul3A_45 = arith.muli %rem3A_40, %mul3A_44 : i32
    %mul3A_46 = arith.constant 80 : i32
    %mul3A_47 = arith.muli %rem3A_43, %mul3A_46 : i32
    %add3A_48 = arith.addi %mul3A_45, %mul3A_47 : i32
    %add3A_49 = arith.constant 0 : i32
    %add3A_50 = arith.addi %add3A_48, %add3A_49 : i32
    %get3A = arith.index_cast %add3A_50 : i32 to index
    %get3A_51 = tpu.vector_load %arg6[%get3A] {strides = array<i32>} : memref<4000xi32, #tpu.memory_space<vmem>>, vector<16xi32>,
    %get3A_52 = vector.shape_cast %get3A_51 : vector<16xi32> to vector<16xi32>
    %and3A = arith.constant 65535 : i32
    %and3A_53 = vector.broadcast %and3A : i32 to vector<16xi32>
    %and3A_54 = arith.andi %get3A_52, %and3A_53 : vector<16xi32>
    %swap3A = arith.constant 0 : i32
    %swap3A_55 = arith.index_cast %swap3A : i32 to index
    %swap3A_56 = arith.constant 0 : index
    %swap3A_57 = tpu.vector_load %arg7[%swap3A_55, %swap3A_56] {strides = array<i32>} : memref<4x80xi32, #tpu.memory_space<vmem>>, vector<1x16xi32>,
    %swap3A_58 = vector.shape_cast %swap3A_57 : vector<1x16xi32> to vector<16xi32>
    %swap3A_59 = vector.shape_cast %and3A_54 : vector<16xi32> to vector<1x16xi32>
    tpu.vector_store %arg7[%swap3A_55, %swap3A_56], %swap3A_59 {strides = array<i32>} : memref<4x80xi32, #tpu.memory_space<vmem>>, vector<1x16xi32>,
    %shift_right_logical3A = arith.constant 16 : i32
    %shift_right_logical3A_60 = vector.broadcast %shift_right_logical3A : i32 to vector<16xi32>
    %shift_right_logical3A_61 = arith.shrui %get3A_52, %shift_right_logical3A_60 : vector<16xi32>
    %swap3A_62 = arith.constant 0 : i32
    %swap3A_63 = arith.index_cast %swap3A_62 : i32 to index
    %swap3A_64 = arith.constant 0 : index
    %swap3A_65 = tpu.vector_load %arg8[%swap3A_63, %swap3A_64] {strides = array<i32>} : memref<4x80xi32, #tpu.memory_space<vmem>>, vector<1x16xi32>,
    %swap3A_66 = vector.shape_cast %swap3A_65 : vector<1x16xi32> to vector<16xi32>
    %swap3A_67 = vector.shape_cast %shift_right_logical3A_61 : vector<16xi32> to vector<1x16xi32>
    tpu.vector_store %arg8[%swap3A_63, %swap3A_64], %swap3A_67 {strides = array<i32>} : memref<4x80xi32, #tpu.memory_space<vmem>>, vector<1x16xi32>,
    %add3A_68 = arith.constant 16 : i32
    %add3A_69 = arith.addi %add3A_48, %add3A_68 : i32
    %get3A_70 = arith.index_cast %add3A_69 : i32 to index
    %get3A_71 = tpu.vector_load %arg6[%get3A_70] {strides = array<i32>} : memref<4000xi32, #tpu.memory_space<vmem>>, vector<16xi32>,
    %get3A_72 = vector.shape_cast %get3A_71 : vector<16xi32> to vector<16xi32>
    %and3A_73 = arith.constant 65535 : i32
    %and3A_74 = vector.broadcast %and3A_73 : i32 to vector<16xi32>
    %and3A_75 = arith.andi %get3A_72, %and3A_74 : vector<16xi32>
    %swap3A_76 = arith.constant 0 : i32
    %swap3A_77 = arith.index_cast %swap3A_76 : i32 to index
    %swap3A_78 = arith.constant 16 : index
    %swap3A_79 = tpu.vector_load %arg7[%swap3A_77, %swap3A_78] {strides = array<i32>} : memref<4x80xi32, #tpu.memory_space<vmem>>, vector<1x16xi32>,
    %swap3A_80 = vector.shape_cast %swap3A_79 : vector<1x16xi32> to vector<16xi32>
    %swap3A_81 = vector.shape_cast %and3A_75 : vector<16xi32> to vector<1x16xi32>
    tpu.vector_store %arg7[%swap3A_77, %swap3A_78], %swap3A_81 {strides = array<i32>} : memref<4x80xi32, #tpu.memory_space<vmem>>, vector<1x16xi32>,
    %shift_right_logical3A_82 = arith.constant 16 : i32
    %shift_right_logical3A_83 = vector.broadcast %shift_right_logical3A_82 : i32 to vector<16xi32>
    %shift_right_logical3A_84 = arith.shrui %get3A_72, %shift_right_logical3A_83 : vector<16xi32>
    %swap3A_85 = arith.constant 0 : i32
    %swap3A_86 = arith.index_cast %swap3A_85 : i32 to index
    %swap3A_87 = arith.constant 16 : index
    %swap3A_88 = tpu.vector_load %arg8[%swap3A_86, %swap3A_87] {strides = array<i32>} : memref<4x80xi32, #tpu.memory_space<vmem>>, vector<1x16xi32>,
    %swap3A_89 = vector.shape_cast %swap3A_88 : vector<1x16xi32> to vector<16xi32>
    %swap3A_90 = vector.shape_cast %shift_right_logical3A_84 : vector<16xi32> to vector<1x16xi32>
    tpu.vector_store %arg8[%swap3A_86, %swap3A_87], %swap3A_90 {strides = array<i32>} : memref<4x80xi32, #tpu.memory_space<vmem>>, vector<1x16xi32>,
    %add3A_91 = arith.constant 32 : i32
    %add3A_92 = arith.addi %add3A_48, %add3A_91 : i32
    %get3A_93 = arith.index_cast %add3A_92 : i32 to index
    %get3A_94 = tpu.vector_load %arg6[%get3A_93] {strides = array<i32>} : memref<4000xi32, #tpu.memory_space<vmem>>, vector<16xi32>,
    %get3A_95 = vector.shape_cast %get3A_94 : vector<16xi32> to vector<16xi32>
    %and3A_96 = arith.constant 65535 : i32
    %and3A_97 = vector.broadcast %and3A_96 : i32 to vector<16xi32>
    %and3A_98 = arith.andi %get3A_95, %and3A_97 : vector<16xi32>
    %swap3A_99 = arith.constant 0 : i32
    %swap3A_100 = arith.index_cast %swap3A_99 : i32 to index
    %swap3A_101 = arith.constant 32 : index
    %swap3A_102 = tpu.vector_load %arg7[%swap3A_100, %swap3A_101] {strides = array<i32>} : memref<4x80xi32, #tpu.memory_space<vmem>>, vector<1x16xi32>,
    %swap3A_103 = vector.shape_cast %swap3A_102 : vector<1x16xi32> to vector<16xi32>
    %swap3A_104 = vector.shape_cast %and3A_98 : vector<16xi32> to vector<1x16xi32>
    tpu.vector_store %arg7[%swap3A_100, %swap3A_101], %swap3A_104 {strides = array<i32>} : memref<4x80xi32, #tpu.memory_space<vmem>>, vector<1x16xi32>,
    %shift_right_logical3A_105 = arith.constant 16 : i32
    %shift_right_logical3A_106 = vector.broadcast %shift_right_logical3A_105 : i32 to vector<16xi32>
    %shift_right_logical3A_107 = arith.shrui %get3A_95, %shift_right_logical3A_106 : vector<16xi32>
    %swap3A_108 = arith.constant 0 : i32
    %swap3A_109 = arith.index_cast %swap3A_108 : i32 to index
    %swap3A_110 = arith.constant 32 : index
    %swap3A_111 = tpu.vector_load %arg8[%swap3A_109, %swap3A_110] {strides = array<i32>} : memref<4x80xi32, #tpu.memory_space<vmem>>, vector<1x16xi32>,
    %swap3A_112 = vector.shape_cast %swap3A_111 : vector<1x16xi32> to vector<16xi32>
    %swap3A_113 = vector.shape_cast %shift_right_logical3A_107 : vector<16xi32> to vector<1x16xi32>
    tpu.vector_store %arg8[%swap3A_109, %swap3A_110], %swap3A_113 {strides = array<i32>} : memref<4x80xi32, #tpu.memory_space<vmem>>, vector<1x16xi32>,
    %add3A_114 = arith.constant 48 : i32
    %add3A_115 = arith.addi %add3A_48, %add3A_114 : i32
    %get3A_116 = arith.index_cast %add3A_115 : i32 to index
    %get3A_117 = tpu.vector_load %arg6[%get3A_116] {strides = array<i32>} : memref<4000xi32, #tpu.memory_space<vmem>>, vector<16xi32>,
    %get3A_118 = vector.shape_cast %get3A_117 : vector<16xi32> to vector<16xi32>
    %and3A_119 = arith.constant 65535 : i32
    %and3A_120 = vector.broadcast %and3A_119 : i32 to vector<16xi32>
    %and3A_121 = arith.andi %get3A_118, %and3A_120 : vector<16xi32>
    %swap3A_122 = arith.constant 0 : i32
    %swap3A_123 = arith.index_cast %swap3A_122 : i32 to index
    %swap3A_124 = arith.constant 48 : index
    %swap3A_125 = tpu.vector_load %arg7[%swap3A_123, %swap3A_124] {strides = array<i32>} : memref<4x80xi32, #tpu.memory_space<vmem>>, vector<1x16xi32>,
    %swap3A_126 = vector.shape_cast %swap3A_125 : vector<1x16xi32> to vector<16xi32>
    %swap3A_127 = vector.shape_cast %and3A_121 : vector<16xi32> to vector<1x16xi32>
    tpu.vector_store %arg7[%swap3A_123, %swap3A_124], %swap3A_127 {strides = array<i32>} : memref<4x80xi32, #tpu.memory_space<vmem>>, vector<1x16xi32>,
    %shift_right_logical3A_128 = arith.constant 16 : i32
    %shift_right_logical3A_129 = vector.broadcast %shift_right_logical3A_128 : i32 to vector<16xi32>
    %shift_right_logical3A_130 = arith.shrui %get3A_118, %shift_right_logical3A_129 : vector<16xi32>
    %swap3A_131 = arith.constant 0 : i32
    %swap3A_132 = arith.index_cast %swap3A_131 : i32 to index
    %swap3A_133 = arith.constant 48 : index
    %swap3A_134 = tpu.vector_load %arg8[%swap3A_132, %swap3A_133] {strides = array<i32>} : memref<4x80xi32, #tpu.memory_space<vmem>>, vector<1x16xi32>,
    %swap3A_135 = vector.shape_cast %swap3A_134 : vector<1x16xi32> to vector<16xi32>
    %swap3A_136 = vector.shape_cast %shift_right_logical3A_130 : vector<16xi32> to vector<1x16xi32>
    tpu.vector_store %arg8[%swap3A_132, %swap3A_133], %swap3A_136 {strides = array<i32>} : memref<4x80xi32, #tpu.memory_space<vmem>>, vector<1x16xi32>,
    %add3A_137 = arith.constant 64 : i32
    %add3A_138 = arith.addi %add3A_48, %add3A_137 : i32
    %get3A_139 = arith.index_cast %add3A_138 : i32 to index
    %get3A_140 = tpu.vector_load %arg6[%get3A_139] {strides = array<i32>} : memref<4000xi32, #tpu.memory_space<vmem>>, vector<16xi32>,
    %get3A_141 = vector.shape_cast %get3A_140 : vector<16xi32> to vector<16xi32>
    %and3A_142 = arith.constant 65535 : i32
    %and3A_143 = vector.broadcast %and3A_142 : i32 to vector<16xi32>
    %and3A_144 = arith.andi %get3A_141, %and3A_143 : vector<16xi32>
    %swap3A_145 = arith.constant 0 : i32
    %swap3A_146 = arith.index_cast %swap3A_145 : i32 to index
    %swap3A_147 = arith.constant 64 : index
    %swap3A_148 = tpu.vector_load %arg7[%swap3A_146, %swap3A_147] {strides = array<i32>} : memref<4x80xi32, #tpu.memory_space<vmem>>, vector<1x16xi32>,
    %swap3A_149 = vector.shape_cast %swap3A_148 : vector<1x16xi32> to vector<16xi32>
    %swap3A_150 = vector.shape_cast %and3A_144 : vector<16xi32> to vector<1x16xi32>
    tpu.vector_store %arg7[%swap3A_146, %swap3A_147], %swap3A_150 {strides = array<i32>} : memref<4x80xi32, #tpu.memory_space<vmem>>, vector<1x16xi32>,
    %shift_right_logical3A_151 = arith.constant 16 : i32
    %shift_right_logical3A_152 = vector.broadcast %shift_right_logical3A_151 : i32 to vector<16xi32>
    %shift_right_logical3A_153 = arith.shrui %get3A_141, %shift_right_logical3A_152 : vector<16xi32>
    %swap3A_154 = arith.constant 0 : i32
    %swap3A_155 = arith.index_cast %swap3A_154 : i32 to index
    %swap3A_156 = arith.constant 64 : index
    %swap3A_157 = tpu.vector_load %arg8[%swap3A_155, %swap3A_156] {strides = array<i32>} : memref<4x80xi32, #tpu.memory_space<vmem>>, vector<1x16xi32>,
    %swap3A_158 = vector.shape_cast %swap3A_157 : vector<1x16xi32> to vector<16xi32>
    %swap3A_159 = vector.shape_cast %shift_right_logical3A_153 : vector<16xi32> to vector<1x16xi32>
    tpu.vector_store %arg8[%swap3A_155, %swap3A_156], %swap3A_159 {strides = array<i32>} : memref<4x80xi32, #tpu.memory_space<vmem>>, vector<1x16xi32>,
    %dma_start3A_160 = arith.constant 0 : i32
    %dma_start3A_161 = arith.constant 0 : i32
    %dma_start3A_162 = arith.constant 0 : i32
    %dma_start3A_163 = tpu.memref_slice %arg9[%dma_start3A_161, %dma_start3A_162] : memref<320x128xf32, #tpu.memory_space<vmem>> -> memref<80x128xf32, #tpu.memory_space<vmem>>
    %dma_start3A_164 = arith.constant 0 : i32
    %dma_start3A_165 = tpu.memref_slice %arg7[%dma_start3A_160, %dma_start3A_164] : memref<4x80xi32, #tpu.memory_space<vmem>> -> memref<1x80xi32, #tpu.memory_space<vmem>>
    %dma_start3A_166 = tpu.memref_squeeze %dma_start3A_165 : memref<1x80xi32, #tpu.memory_space<vmem>> -> memref<80xi32, #tpu.memory_space<vmem>>
    %dma_start3A_167 = arith.constant 0 : i32
    %dma_start3A_168 = arith.constant 0 : i32
    %dma_start3A_169 = tpu.memref_slice %arg2[%dma_start3A_167, %dma_start3A_168] : memref<20000x128xf32, #tpu.memory_space<hbm>> -> memref<20000x128xf32, #tpu.memory_space<hbm>>
    tpu.enqueue_indirect_dma source(%dma_start3A_169 : memref<20000x128xf32, #tpu.memory_space<hbm>>) target(%dma_start3A_163 : memref<80x128xf32, #tpu.memory_space<vmem>>) offsets(%dma_start3A_166 : memref<80xi32, #tpu.memory_space<vmem>>) semaphore(%arg10 : memref<!tpu.dma_semaphore, #tpu.memory_space<semaphore_mem>>)
    %div3A_170 = arith.constant 1 : i32
    %div3A_171 = arith.constant 25 : i32
    %div3A_172 = arith.divsi %div3A_170, %div3A_171 : i32
    %rem3A_173 = arith.constant 2 : i32
    %rem3A_174 = arith.remsi %div3A_172, %rem3A_173 : i32
    %rem3A_175 = arith.constant 1 : i32
    %rem3A_176 = arith.constant 25 : i32
    %rem3A_177 = arith.remsi %rem3A_175, %rem3A_176 : i32
    %mul3A_178 = arith.constant 2000 : i32
    %mul3A_179 = arith.muli %rem3A_174, %mul3A_178 : i32
    %mul3A_180 = arith.constant 80 : i32
    %mul3A_181 = arith.muli %rem3A_177, %mul3A_180 : i32
    %add3A_182 = arith.addi %mul3A_179, %mul3A_181 : i32
    %add3A_183 = arith.constant 0 : i32
    %add3A_184 = arith.addi %add3A_182, %add3A_183 : i32
    %get3A_185 = arith.index_cast %add3A_184 : i32 to index
    %get3A_186 = tpu.vector_load %arg6[%get3A_185] {strides = array<i32>} : memref<4000xi32, #tpu.memory_space<vmem>>, vector<16xi32>,
    %get3A_187 = vector.shape_cast %get3A_186 : vector<16xi32> to vector<16xi32>
    %and3A_188 = arith.constant 65535 : i32
    %and3A_189 = vector.broadcast %and3A_188 : i32 to vector<16xi32>
    %and3A_190 = arith.andi %get3A_187, %and3A_189 : vector<16xi32>
    %swap3A_191 = arith.constant 1 : i32
    %swap3A_192 = arith.index_cast %swap3A_191 : i32 to index
    %swap3A_193 = arith.constant 0 : index
    %swap3A_194 = tpu.vector_load %arg7[%swap3A_192, %swap3A_193] {strides = array<i32>} : memref<4x80xi32, #tpu.memory_space<vmem>>, vector<1x16xi32>,
    %swap3A_195 = vector.shape_cast %swap3A_194 : vector<1x16xi32> to vector<16xi32>
    %swap3A_196 = vector.shape_cast %and3A_190 : vector<16xi32> to vector<1x16xi32>
    tpu.vector_store %arg7[%swap3A_192, %swap3A_193], %swap3A_196 {strides = array<i32>} : memref<4x80xi32, #tpu.memory_space<vmem>>, vector<1x16xi32>,
    %shift_right_logical3A_197 = arith.constant 16 : i32
    %shift_right_logical3A_198 = vector.broadcast %shift_right_logical3A_197 : i32 to vector<16xi32>
    %shift_right_logical3A_199 = arith.shrui %get3A_187, %shift_right_logical3A_198 : vector<16xi32>
    %swap3A_200 = arith.constant 1 : i32
    %swap3A_201 = arith.index_cast %swap3A_200 : i32 to index
    %swap3A_202 = arith.constant 0 : index
    %swap3A_203 = tpu.vector_load %arg8[%swap3A_201, %swap3A_202] {strides = array<i32>} : memref<4x80xi32, #tpu.memory_space<vmem>>, vector<1x16xi32>,
    %swap3A_204 = vector.shape_cast %swap3A_203 : vector<1x16xi32> to vector<16xi32>
    %swap3A_205 = vector.shape_cast %shift_right_logical3A_199 : vector<16xi32> to vector<1x16xi32>
    tpu.vector_store %arg8[%swap3A_201, %swap3A_202], %swap3A_205 {strides = array<i32>} : memref<4x80xi32, #tpu.memory_space<vmem>>, vector<1x16xi32>,
    %add3A_206 = arith.constant 16 : i32
    %add3A_207 = arith.addi %add3A_182, %add3A_206 : i32
    %get3A_208 = arith.index_cast %add3A_207 : i32 to index
    %get3A_209 = tpu.vector_load %arg6[%get3A_208] {strides = array<i32>} : memref<4000xi32, #tpu.memory_space<vmem>>, vector<16xi32>,
    %get3A_210 = vector.shape_cast %get3A_209 : vector<16xi32> to vector<16xi32>
    %and3A_211 = arith.constant 65535 : i32
    %and3A_212 = vector.broadcast %and3A_211 : i32 to vector<16xi32>
    %and3A_213 = arith.andi %get3A_210, %and3A_212 : vector<16xi32>
    %swap3A_214 = arith.constant 1 : i32
    %swap3A_215 = arith.index_cast %swap3A_214 : i32 to index
    %swap3A_216 = arith.constant 16 : index
    %swap3A_217 = tpu.vector_load %arg7[%swap3A_215, %swap3A_216] {strides = array<i32>} : memref<4x80xi32, #tpu.memory_space<vmem>>, vector<1x16xi32>,
    %swap3A_218 = vector.shape_cast %swap3A_217 : vector<1x16xi32> to vector<16xi32>
    %swap3A_219 = vector.shape_cast %and3A_213 : vector<16xi32> to vector<1x16xi32>
    tpu.vector_store %arg7[%swap3A_215, %swap3A_216], %swap3A_219 {strides = array<i32>} : memref<4x80xi32, #tpu.memory_space<vmem>>, vector<1x16xi32>,
    %shift_right_logical3A_220 = arith.constant 16 : i32
    %shift_right_logical3A_221 = vector.broadcast %shift_right_logical3A_220 : i32 to vector<16xi32>
    %shift_right_logical3A_222 = arith.shrui %get3A_210, %shift_right_logical3A_221 : vector<16xi32>
    %swap3A_223 = arith.constant 1 : i32
    %swap3A_224 = arith.index_cast %swap3A_223 : i32 to index
    %swap3A_225 = arith.constant 16 : index
    %swap3A_226 = tpu.vector_load %arg8[%swap3A_224, %swap3A_225] {strides = array<i32>} : memref<4x80xi32, #tpu.memory_space<vmem>>, vector<1x16xi32>,
    %swap3A_227 = vector.shape_cast %swap3A_226 : vector<1x16xi32> to vector<16xi32>
    %swap3A_228 = vector.shape_cast %shift_right_logical3A_222 : vector<16xi32> to vector<1x16xi32>
    tpu.vector_store %arg8[%swap3A_224, %swap3A_225], %swap3A_228 {strides = array<i32>} : memref<4x80xi32, #tpu.memory_space<vmem>>, vector<1x16xi32>,
    %add3A_229 = arith.constant 32 : i32
    %add3A_230 = arith.addi %add3A_182, %add3A_229 : i32
    %get3A_231 = arith.index_cast %add3A_230 : i32 to index
    %get3A_232 = tpu.vector_load %arg6[%get3A_231] {strides = array<i32>} : memref<4000xi32, #tpu.memory_space<vmem>>, vector<16xi32>,
    %get3A_233 = vector.shape_cast %get3A_232 : vector<16xi32> to vector<16xi32>
    %and3A_234 = arith.constant 65535 : i32
    %and3A_235 = vector.broadcast %and3A_234 : i32 to vector<16xi32>
    %and3A_236 = arith.andi %get3A_233, %and3A_235 : vector<16xi32>
    %swap3A_237 = arith.constant 1 : i32
    %swap3A_238 = arith.index_cast %swap3A_237 : i32 to index
    %swap3A_239 = arith.constant 32 : index
    %swap3A_240 = tpu.vector_load %arg7[%swap3A_238, %swap3A_239] {strides = array<i32>} : memref<4x80xi32, #tpu.memory_space<vmem>>, vector<1x16xi32>,
    %swap3A_241 = vector.shape_cast %swap3A_240 : vector<1x16xi32> to vector<16xi32>
    %swap3A_242 = vector.shape_cast %and3A_236 : vector<16xi32> to vector<1x16xi32>
    tpu.vector_store %arg7[%swap3A_238, %swap3A_239], %swap3A_242 {strides = array<i32>} : memref<4x80xi32, #tpu.memory_space<vmem>>, vector<1x16xi32>,
    %shift_right_logical3A_243 = arith.constant 16 : i32
    %shift_right_logical3A_244 = vector.broadcast %shift_right_logical3A_243 : i32 to vector<16xi32>
    %shift_right_logical3A_245 = arith.shrui %get3A_233, %shift_right_logical3A_244 : vector<16xi32>
    %swap3A_246 = arith.constant 1 : i32
    %swap3A_247 = arith.index_cast %swap3A_246 : i32 to index
    %swap3A_248 = arith.constant 32 : index
    %swap3A_249 = tpu.vector_load %arg8[%swap3A_247, %swap3A_248] {strides = array<i32>} : memref<4x80xi32, #tpu.memory_space<vmem>>, vector<1x16xi32>,
    %swap3A_250 = vector.shape_cast %swap3A_249 : vector<1x16xi32> to vector<16xi32>
    %swap3A_251 = vector.shape_cast %shift_right_logical3A_245 : vector<16xi32> to vector<1x16xi32>
    tpu.vector_store %arg8[%swap3A_247, %swap3A_248], %swap3A_251 {strides = array<i32>} : memref<4x80xi32, #tpu.memory_space<vmem>>, vector<1x16xi32>,
    %add3A_252 = arith.constant 48 : i32
    %add3A_253 = arith.addi %add3A_182, %add3A_252 : i32
    %get3A_254 = arith.index_cast %add3A_253 : i32 to index
    %get3A_255 = tpu.vector_load %arg6[%get3A_254] {strides = array<i32>} : memref<4000xi32, #tpu.memory_space<vmem>>, vector<16xi32>,
    %get3A_256 = vector.shape_cast %get3A_255 : vector<16xi32> to vector<16xi32>
    %and3A_257 = arith.constant 65535 : i32
    %and3A_258 = vector.broadcast %and3A_257 : i32 to vector<16xi32>
    %and3A_259 = arith.andi %get3A_256, %and3A_258 : vector<16xi32>
    %swap3A_260 = arith.constant 1 : i32
    %swap3A_261 = arith.index_cast %swap3A_260 : i32 to index
    %swap3A_262 = arith.constant 48 : index
    %swap3A_263 = tpu.vector_load %arg7[%swap3A_261, %swap3A_262] {strides = array<i32>} : memref<4x80xi32, #tpu.memory_space<vmem>>, vector<1x16xi32>,
    %swap3A_264 = vector.shape_cast %swap3A_263 : vector<1x16xi32> to vector<16xi32>
    %swap3A_265 = vector.shape_cast %and3A_259 : vector<16xi32> to vector<1x16xi32>
    tpu.vector_store %arg7[%swap3A_261, %swap3A_262], %swap3A_265 {strides = array<i32>} : memref<4x80xi32, #tpu.memory_space<vmem>>, vector<1x16xi32>,
    %shift_right_logical3A_266 = arith.constant 16 : i32
    %shift_right_logical3A_267 = vector.broadcast %shift_right_logical3A_266 : i32 to vector<16xi32>
    %shift_right_logical3A_268 = arith.shrui %get3A_256, %shift_right_logical3A_267 : vector<16xi32>
    %swap3A_269 = arith.constant 1 : i32
    %swap3A_270 = arith.index_cast %swap3A_269 : i32 to index
    %swap3A_271 = arith.constant 48 : index
    %swap3A_272 = tpu.vector_load %arg8[%swap3A_270, %swap3A_271] {strides = array<i32>} : memref<4x80xi32, #tpu.memory_space<vmem>>, vector<1x16xi32>,
    %swap3A_273 = vector.shape_cast %swap3A_272 : vector<1x16xi32> to vector<16xi32>
    %swap3A_274 = vector.shape_cast %shift_right_logical3A_268 : vector<16xi32> to vector<1x16xi32>
    tpu.vector_store %arg8[%swap3A_270, %swap3A_271], %swap3A_274 {strides = array<i32>} : memref<4x80xi32, #tpu.memory_space<vmem>>, vector<1x16xi32>,
    %add3A_275 = arith.constant 64 : i32
    %add3A_276 = arith.addi %add3A_182, %add3A_275 : i32
    %get3A_277 = arith.index_cast %add3A_276 : i32 to index
    %get3A_278 = tpu.vector_load %arg6[%get3A_277] {strides = array<i32>} : memref<4000xi32, #tpu.memory_space<vmem>>, vector<16xi32>,
    %get3A_279 = vector.shape_cast %get3A_278 : vector<16xi32> to vector<16xi32>
    %and3A_280 = arith.constant 65535 : i32
    %and3A_281 = vector.broadcast %and3A_280 : i32 to vector<16xi32>
    %and3A_282 = arith.andi %get3A_279, %and3A_281 : vector<16xi32>
    %swap3A_283 = arith.constant 1 : i32
    %swap3A_284 = arith.index_cast %swap3A_283 : i32 to index
    %swap3A_285 = arith.constant 64 : index
    %swap3A_286 = tpu.vector_load %arg7[%swap3A_284, %swap3A_285] {strides = array<i32>} : memref<4x80xi32, #tpu.memory_space<vmem>>, vector<1x16xi32>,
    %swap3A_287 = vector.shape_cast %swap3A_286 : vector<1x16xi32> to vector<16xi32>
    %swap3A_288 = vector.shape_cast %and3A_282 : vector<16xi32> to vector<1x16xi32>
    tpu.vector_store %arg7[%swap3A_284, %swap3A_285], %swap3A_288 {strides = array<i32>} : memref<4x80xi32, #tpu.memory_space<vmem>>, vector<1x16xi32>,
    %shift_right_logical3A_289 = arith.constant 16 : i32
    %shift_right_logical3A_290 = vector.broadcast %shift_right_logical3A_289 : i32 to vector<16xi32>
    %shift_right_logical3A_291 = arith.shrui %get3A_279, %shift_right_logical3A_290 : vector<16xi32>
    %swap3A_292 = arith.constant 1 : i32
    %swap3A_293 = arith.index_cast %swap3A_292 : i32 to index
    %swap3A_294 = arith.constant 64 : index
    %swap3A_295 = tpu.vector_load %arg8[%swap3A_293, %swap3A_294] {strides = array<i32>} : memref<4x80xi32, #tpu.memory_space<vmem>>, vector<1x16xi32>,
    %swap3A_296 = vector.shape_cast %swap3A_295 : vector<1x16xi32> to vector<16xi32>
    %swap3A_297 = vector.shape_cast %shift_right_logical3A_291 : vector<16xi32> to vector<1x16xi32>
    tpu.vector_store %arg8[%swap3A_293, %swap3A_294], %swap3A_297 {strides = array<i32>} : memref<4x80xi32, #tpu.memory_space<vmem>>, vector<1x16xi32>,
    %dma_start3A_298 = arith.constant 1 : i32
    %dma_start3A_299 = arith.constant 80 : i32
    %dma_start3A_300 = arith.constant 0 : i32
    %dma_start3A_301 = tpu.memref_slice %arg9[%dma_start3A_299, %dma_start3A_300] : memref<320x128xf32, #tpu.memory_space<vmem>> -> memref<80x128xf32, #tpu.memory_space<vmem>>
    %dma_start3A_302 = arith.constant 0 : i32
    %dma_start3A_303 = tpu.memref_slice %arg7[%dma_start3A_298, %dma_start3A_302] : memref<4x80xi32, #tpu.memory_space<vmem>> -> memref<1x80xi32, #tpu.memory_space<vmem>>
    %dma_start3A_304 = tpu.memref_squeeze %dma_start3A_303 : memref<1x80xi32, #tpu.memory_space<vmem>> -> memref<80xi32, #tpu.memory_space<vmem>>
    %dma_start3A_305 = arith.constant 0 : i32
    %dma_start3A_306 = arith.constant 0 : i32
    %dma_start3A_307 = tpu.memref_slice %arg2[%dma_start3A_305, %dma_start3A_306] : memref<20000x128xf32, #tpu.memory_space<hbm>> -> memref<20000x128xf32, #tpu.memory_space<hbm>>
    tpu.enqueue_indirect_dma source(%dma_start3A_307 : memref<20000x128xf32, #tpu.memory_space<hbm>>) target(%dma_start3A_301 : memref<80x128xf32, #tpu.memory_space<vmem>>) offsets(%dma_start3A_304 : memref<80xi32, #tpu.memory_space<vmem>>) semaphore(%arg10 : memref<!tpu.dma_semaphore, #tpu.memory_space<semaphore_mem>>)
    %div3A_308 = arith.constant 2 : i32
    %div3A_309 = arith.constant 25 : i32
    %div3A_310 = arith.divsi %div3A_308, %div3A_309 : i32
    %rem3A_311 = arith.constant 2 : i32
    %rem3A_312 = arith.remsi %div3A_310, %rem3A_311 : i32
    %rem3A_313 = arith.constant 2 : i32
    %rem3A_314 = arith.constant 25 : i32
    %rem3A_315 = arith.remsi %rem3A_313, %rem3A_314 : i32
    %mul3A_316 = arith.constant 2000 : i32
    %mul3A_317 = arith.muli %rem3A_312, %mul3A_316 : i32
    %mul3A_318 = arith.constant 80 : i32
    %mul3A_319 = arith.muli %rem3A_315, %mul3A_318 : i32
    %add3A_320 = arith.addi %mul3A_317, %mul3A_319 : i32
    %add3A_321 = arith.constant 0 : i32
    %add3A_322 = arith.addi %add3A_320, %add3A_321 : i32
    %get3A_323 = arith.index_cast %add3A_322 : i32 to index
    %get3A_324 = tpu.vector_load %arg6[%get3A_323] {strides = array<i32>} : memref<4000xi32, #tpu.memory_space<vmem>>, vector<16xi32>,
    %get3A_325 = vector.shape_cast %get3A_324 : vector<16xi32> to vector<16xi32>
    %and3A_326 = arith.constant 65535 : i32
    %and3A_327 = vector.broadcast %and3A_326 : i32 to vector<16xi32>
    %and3A_328 = arith.andi %get3A_325, %and3A_327 : vector<16xi32>
    %swap3A_329 = arith.constant 2 : i32
    %swap3A_330 = arith.index_cast %swap3A_329 : i32 to index
    %swap3A_331 = arith.constant 0 : index
    %swap3A_332 = tpu.vector_load %arg7[%swap3A_330, %swap3A_331] {strides = array<i32>} : memref<4x80xi32, #tpu.memory_space<vmem>>, vector<1x16xi32>,
    %swap3A_333 = vector.shape_cast %swap3A_332 : vector<1x16xi32> to vector<16xi32>
    %swap3A_334 = vector.shape_cast %and3A_328 : vector<16xi32> to vector<1x16xi32>
    tpu.vector_store %arg7[%swap3A_330, %swap3A_331], %swap3A_334 {strides = array<i32>} : memref<4x80xi32, #tpu.memory_space<vmem>>, vector<1x16xi32>,
    %shift_right_logical3A_335 = arith.constant 16 : i32
    %shift_right_logical3A_336 = vector.broadcast %shift_right_logical3A_335 : i32 to vector<16xi32>
    %shift_right_logical3A_337 = arith.shrui %get3A_325, %shift_right_logical3A_336 : vector<16xi32>
    %swap3A_338 = arith.constant 2 : i32
    %swap3A_339 = arith.index_cast %swap3A_338 : i32 to index
    %swap3A_340 = arith.constant 0 : index
    %swap3A_341 = tpu.vector_load %arg8[%swap3A_339, %swap3A_340] {strides = array<i32>} : memref<4x80xi32, #tpu.memory_space<vmem>>, vector<1x16xi32>,
    %swap3A_342 = vector.shape_cast %swap3A_341 : vector<1x16xi32> to vector<16xi32>
    %swap3A_343 = vector.shape_cast %shift_right_logical3A_337 : vector<16xi32> to vector<1x16xi32>
    tpu.vector_store %arg8[%swap3A_339, %swap3A_340], %swap3A_343 {strides = array<i32>} : memref<4x80xi32, #tpu.memory_space<vmem>>, vector<1x16xi32>,
    %add3A_344 = arith.constant 16 : i32
    %add3A_345 = arith.addi %add3A_320, %add3A_344 : i32
    %get3A_346 = arith.index_cast %add3A_345 : i32 to index
    %get3A_347 = tpu.vector_load %arg6[%get3A_346] {strides = array<i32>} : memref<4000xi32, #tpu.memory_space<vmem>>, vector<16xi32>,
    %get3A_348 = vector.shape_cast %get3A_347 : vector<16xi32> to vector<16xi32>
    %and3A_349 = arith.constant 65535 : i32
    %and3A_350 = vector.broadcast %and3A_349 : i32 to vector<16xi32>
    %and3A_351 = arith.andi %get3A_348, %and3A_350 : vector<16xi32>
    %swap3A_352 = arith.constant 2 : i32
    %swap3A_353 = arith.index_cast %swap3A_352 : i32 to index
    %swap3A_354 = arith.constant 16 : index
    %swap3A_355 = tpu.vector_load %arg7[%swap3A_353, %swap3A_354] {strides = array<i32>} : memref<4x80xi32, #tpu.memory_space<vmem>>, vector<1x16xi32>,
    %swap3A_356 = vector.shape_cast %swap3A_355 : vector<1x16xi32> to vector<16xi32>
    %swap3A_357 = vector.shape_cast %and3A_351 : vector<16xi32> to vector<1x16xi32>
    tpu.vector_store %arg7[%swap3A_353, %swap3A_354], %swap3A_357 {strides = array<i32>} : memref<4x80xi32, #tpu.memory_space<vmem>>, vector<1x16xi32>,
    %shift_right_logical3A_358 = arith.constant 16 : i32
    %shift_right_logical3A_359 = vector.broadcast %shift_right_logical3A_358 : i32 to vector<16xi32>
    %shift_right_logical3A_360 = arith.shrui %get3A_348, %shift_right_logical3A_359 : vector<16xi32>
    %swap3A_361 = arith.constant 2 : i32
    %swap3A_362 = arith.index_cast %swap3A_361 : i32 to index
    %swap3A_363 = arith.constant 16 : index
    %swap3A_364 = tpu.vector_load %arg8[%swap3A_362, %swap3A_363] {strides = array<i32>} : memref<4x80xi32, #tpu.memory_space<vmem>>, vector<1x16xi32>,
    %swap3A_365 = vector.shape_cast %swap3A_364 : vector<1x16xi32> to vector<16xi32>
    %swap3A_366 = vector.shape_cast %shift_right_logical3A_360 : vector<16xi32> to vector<1x16xi32>
    tpu.vector_store %arg8[%swap3A_362, %swap3A_363], %swap3A_366 {strides = array<i32>} : memref<4x80xi32, #tpu.memory_space<vmem>>, vector<1x16xi32>,
    %add3A_367 = arith.constant 32 : i32
    %add3A_368 = arith.addi %add3A_320, %add3A_367 : i32
    %get3A_369 = arith.index_cast %add3A_368 : i32 to index
    %get3A_370 = tpu.vector_load %arg6[%get3A_369] {strides = array<i32>} : memref<4000xi32, #tpu.memory_space<vmem>>, vector<16xi32>,
    %get3A_371 = vector.shape_cast %get3A_370 : vector<16xi32> to vector<16xi32>
    %and3A_372 = arith.constant 65535 : i32
    %and3A_373 = vector.broadcast %and3A_372 : i32 to vector<16xi32>
    %and3A_374 = arith.andi %get3A_371, %and3A_373 : vector<16xi32>
    %swap3A_375 = arith.constant 2 : i32
    %swap3A_376 = arith.index_cast %swap3A_375 : i32 to index
    %swap3A_377 = arith.constant 32 : index
    %swap3A_378 = tpu.vector_load %arg7[%swap3A_376, %swap3A_377] {strides = array<i32>} : memref<4x80xi32, #tpu.memory_space<vmem>>, vector<1x16xi32>,
    %swap3A_379 = vector.shape_cast %swap3A_378 : vector<1x16xi32> to vector<16xi32>
    %swap3A_380 = vector.shape_cast %and3A_374 : vector<16xi32> to vector<1x16xi32>
    tpu.vector_store %arg7[%swap3A_376, %swap3A_377], %swap3A_380 {strides = array<i32>} : memref<4x80xi32, #tpu.memory_space<vmem>>, vector<1x16xi32>,
    %shift_right_logical3A_381 = arith.constant 16 : i32
    %shift_right_logical3A_382 = vector.broadcast %shift_right_logical3A_381 : i32 to vector<16xi32>
    %shift_right_logical3A_383 = arith.shrui %get3A_371, %shift_right_logical3A_382 : vector<16xi32>
    %swap3A_384 = arith.constant 2 : i32
    %swap3A_385 = arith.index_cast %swap3A_384 : i32 to index
    %swap3A_386 = arith.constant 32 : index
    %swap3A_387 = tpu.vector_load %arg8[%swap3A_385, %swap3A_386] {strides = array<i32>} : memref<4x80xi32, #tpu.memory_space<vmem>>, vector<1x16xi32>,
    %swap3A_388 = vector.shape_cast %swap3A_387 : vector<1x16xi32> to vector<16xi32>
    %swap3A_389 = vector.shape_cast %shift_right_logical3A_383 : vector<16xi32> to vector<1x16xi32>
    tpu.vector_store %arg8[%swap3A_385, %swap3A_386], %swap3A_389 {strides = array<i32>} : memref<4x80xi32, #tpu.memory_space<vmem>>, vector<1x16xi32>,
    %add3A_390 = arith.constant 48 : i32
    %add3A_391 = arith.addi %add3A_320, %add3A_390 : i32
    %get3A_392 = arith.index_cast %add3A_391 : i32 to index
    %get3A_393 = tpu.vector_load %arg6[%get3A_392] {strides = array<i32>} : memref<4000xi32, #tpu.memory_space<vmem>>, vector<16xi32>,
    %get3A_394 = vector.shape_cast %get3A_393 : vector<16xi32> to vector<16xi32>
    %and3A_395 = arith.constant 65535 : i32
    %and3A_396 = vector.broadcast %and3A_395 : i32 to vector<16xi32>
    %and3A_397 = arith.andi %get3A_394, %and3A_396 : vector<16xi32>
    %swap3A_398 = arith.constant 2 : i32
    %swap3A_399 = arith.index_cast %swap3A_398 : i32 to index
    %swap3A_400 = arith.constant 48 : index
    %swap3A_401 = tpu.vector_load %arg7[%swap3A_399, %swap3A_400] {strides = array<i32>} : memref<4x80xi32, #tpu.memory_space<vmem>>, vector<1x16xi32>,
    %swap3A_402 = vector.shape_cast %swap3A_401 : vector<1x16xi32> to vector<16xi32>
    %swap3A_403 = vector.shape_cast %and3A_397 : vector<16xi32> to vector<1x16xi32>
    tpu.vector_store %arg7[%swap3A_399, %swap3A_400], %swap3A_403 {strides = array<i32>} : memref<4x80xi32, #tpu.memory_space<vmem>>, vector<1x16xi32>,
    %shift_right_logical3A_404 = arith.constant 16 : i32
    %shift_right_logical3A_405 = vector.broadcast %shift_right_logical3A_404 : i32 to vector<16xi32>
    %shift_right_logical3A_406 = arith.shrui %get3A_394, %shift_right_logical3A_405 : vector<16xi32>
    %swap3A_407 = arith.constant 2 : i32
    %swap3A_408 = arith.index_cast %swap3A_407 : i32 to index
    %swap3A_409 = arith.constant 48 : index
    %swap3A_410 = tpu.vector_load %arg8[%swap3A_408, %swap3A_409] {strides = array<i32>} : memref<4x80xi32, #tpu.memory_space<vmem>>, vector<1x16xi32>,
    %swap3A_411 = vector.shape_cast %swap3A_410 : vector<1x16xi32> to vector<16xi32>
    %swap3A_412 = vector.shape_cast %shift_right_logical3A_406 : vector<16xi32> to vector<1x16xi32>
    tpu.vector_store %arg8[%swap3A_408, %swap3A_409], %swap3A_412 {strides = array<i32>} : memref<4x80xi32, #tpu.memory_space<vmem>>, vector<1x16xi32>,
    %add3A_413 = arith.constant 64 : i32
    %add3A_414 = arith.addi %add3A_320, %add3A_413 : i32
    %get3A_415 = arith.index_cast %add3A_414 : i32 to index
    %get3A_416 = tpu.vector_load %arg6[%get3A_415] {strides = array<i32>} : memref<4000xi32, #tpu.memory_space<vmem>>, vector<16xi32>,
    %get3A_417 = vector.shape_cast %get3A_416 : vector<16xi32> to vector<16xi32>
    %and3A_418 = arith.constant 65535 : i32
    %and3A_419 = vector.broadcast %and3A_418 : i32 to vector<16xi32>
    %and3A_420 = arith.andi %get3A_417, %and3A_419 : vector<16xi32>
    %swap3A_421 = arith.constant 2 : i32
    %swap3A_422 = arith.index_cast %swap3A_421 : i32 to index
    %swap3A_423 = arith.constant 64 : index
    %swap3A_424 = tpu.vector_load %arg7[%swap3A_422, %swap3A_423] {strides = array<i32>} : memref<4x80xi32, #tpu.memory_space<vmem>>, vector<1x16xi32>,
    %swap3A_425 = vector.shape_cast %swap3A_424 : vector<1x16xi32> to vector<16xi32>
    %swap3A_426 = vector.shape_cast %and3A_420 : vector<16xi32> to vector<1x16xi32>
    tpu.vector_store %arg7[%swap3A_422, %swap3A_423], %swap3A_426 {strides = array<i32>} : memref<4x80xi32, #tpu.memory_space<vmem>>, vector<1x16xi32>,
    %shift_right_logical3A_427 = arith.constant 16 : i32
    %shift_right_logical3A_428 = vector.broadcast %shift_right_logical3A_427 : i32 to vector<16xi32>
    %shift_right_logical3A_429 = arith.shrui %get3A_417, %shift_right_logical3A_428 : vector<16xi32>
    %swap3A_430 = arith.constant 2 : i32
    %swap3A_431 = arith.index_cast %swap3A_430 : i32 to index
    %swap3A_432 = arith.constant 64 : index
    %swap3A_433 = tpu.vector_load %arg8[%swap3A_431, %swap3A_432] {strides = array<i32>} : memref<4x80xi32, #tpu.memory_space<vmem>>, vector<1x16xi32>,
    %swap3A_434 = vector.shape_cast %swap3A_433 : vector<1x16xi32> to vector<16xi32>
    %swap3A_435 = vector.shape_cast %shift_right_logical3A_429 : vector<16xi32> to vector<1x16xi32>
    tpu.vector_store %arg8[%swap3A_431, %swap3A_432], %swap3A_435 {strides = array<i32>} : memref<4x80xi32, #tpu.memory_space<vmem>>, vector<1x16xi32>,
    %dma_start3A_436 = arith.constant 2 : i32
    %dma_start3A_437 = arith.constant 160 : i32
    %dma_start3A_438 = arith.constant 0 : i32
    %dma_start3A_439 = tpu.memref_slice %arg9[%dma_start3A_437, %dma_start3A_438] : memref<320x128xf32, #tpu.memory_space<vmem>> -> memref<80x128xf32, #tpu.memory_space<vmem>>
    %dma_start3A_440 = arith.constant 0 : i32
    %dma_start3A_441 = tpu.memref_slice %arg7[%dma_start3A_436, %dma_start3A_440] : memref<4x80xi32, #tpu.memory_space<vmem>> -> memref<1x80xi32, #tpu.memory_space<vmem>>
    %dma_start3A_442 = tpu.memref_squeeze %dma_start3A_441 : memref<1x80xi32, #tpu.memory_space<vmem>> -> memref<80xi32, #tpu.memory_space<vmem>>
    %dma_start3A_443 = arith.constant 0 : i32
    %dma_start3A_444 = arith.constant 0 : i32
    %dma_start3A_445 = tpu.memref_slice %arg2[%dma_start3A_443, %dma_start3A_444] : memref<20000x128xf32, #tpu.memory_space<hbm>> -> memref<20000x128xf32, #tpu.memory_space<hbm>>
    tpu.enqueue_indirect_dma source(%dma_start3A_445 : memref<20000x128xf32, #tpu.memory_space<hbm>>) target(%dma_start3A_439 : memref<80x128xf32, #tpu.memory_space<vmem>>) offsets(%dma_start3A_442 : memref<80xi32, #tpu.memory_space<vmem>>) semaphore(%arg10 : memref<!tpu.dma_semaphore, #tpu.memory_space<semaphore_mem>>)
    %barrier3A = arith.constant 0 : index
    tpu.barrier barrier_id(%barrier3A)
    %scan3A_446 = arith.constant 3 : i32
    %scan3A_447 = arith.constant 124 : i32
    %scan3A_448 = arith.addi %scan3A_446, %scan3A_447 : i32
    %scan3A_449 = arith.constant 2 : i32
    scf.for %scan3A_538 = %scan3A_446 to %scan3A_448 step %scan3A_449  : i32 {
      %rem3A_539 = arith.constant 4 : i32
      %rem3A_540 = arith.remsi %scan3A_538, %rem3A_539 : i32
      %div3A_541 = arith.constant 25 : i32
      %div3A_542 = arith.divsi %scan3A_538, %div3A_541 : i32
      %rem3A_543 = arith.constant 25 : i32
      %rem3A_544 = arith.remsi %scan3A_538, %rem3A_543 : i32
      %lt3A_545 = arith.constant 125 : i32
      %lt3A_546 = arith.cmpi slt, %scan3A_538, %lt3A_545 : i32
      %convert_element_type3A_547 = arith.extui %lt3A_546 : i1 to i32
      %cond3A_548 = arith.constant 0 : i32
      %cond3A_549 = arith.cmpi ne, %convert_element_type3A_547, %cond3A_548 : i32
      scf.if %cond3A_549 {
        %ge3A = arith.constant 4 : i32
        %ge3A_611 = arith.cmpi sge, %scan3A_538, %ge3A : i32
        %convert_element_type3A_612 = arith.extui %ge3A_611 : i1 to i32
        %cond3A_613 = arith.constant 0 : i32
        %cond3A_614 = arith.cmpi ne, %convert_element_type3A_612, %cond3A_613 : i32
        scf.if %cond3A_614 {
          %mul3A_754 = arith.constant 80 : i32
          %mul3A_755 = arith.muli %rem3A_540, %mul3A_754 : i32
          %dma_wait3A_756 = arith.constant 0 : i32
          %dma_wait3A_757 = tpu.memref_slice %arg9[%mul3A_755, %dma_wait3A_756] : memref<320x128xf32, #tpu.memory_space<vmem>> -> memref<80x128xf32, #tpu.memory_space<vmem>>
          %dma_wait3A_758 = arith.constant 0 : i32
          %dma_wait3A_759 = tpu.memref_slice %arg8[%rem3A_540, %dma_wait3A_758] : memref<4x80xi32, #tpu.memory_space<vmem>> -> memref<1x80xi32, #tpu.memory_space<vmem>>
          %dma_wait3A_760 = tpu.memref_squeeze %dma_wait3A_759 : memref<1x80xi32, #tpu.memory_space<vmem>> -> memref<80xi32, #tpu.memory_space<vmem>>
          %dma_wait3A_761 = arith.constant 0 : i32
          %dma_wait3A_762 = arith.constant 0 : i32
          %dma_wait3A_763 = tpu.memref_slice %arg5[%dma_wait3A_761, %dma_wait3A_762] : memref<10000x128xf32, #tpu.memory_space<vmem_shared>> -> memref<10000x128xf32, #tpu.memory_space<vmem_shared>>
          tpu.wait_indirect_dma semaphore(%arg11 : memref<!tpu.dma_semaphore, #tpu.memory_space<semaphore_mem>>) src(%dma_wait3A_757 : memref<80x128xf32, #tpu.memory_space<vmem>>) dst(%dma_wait3A_763 : memref<10000x128xf32, #tpu.memory_space<vmem_shared>>)
        } else {
        }
        %eq3A_615 = arith.constant 0 : i32
        %eq3A_616 = arith.cmpi eq, %rem3A_544, %eq3A_615 : i32
        %convert_element_type3A_617 = arith.extui %eq3A_616 : i1 to i32
        %cond3A_618 = arith.constant 0 : i32
        %cond3A_619 = arith.cmpi ne, %convert_element_type3A_617, %cond3A_618 : i32
        scf.if %cond3A_619 {
          %rem3A_754 = arith.constant 2 : i32
          %rem3A_755 = arith.remsi %div3A_542, %rem3A_754 : i32
          %mul3A_756 = arith.constant 2000 : i32
          %mul3A_757 = arith.muli %div3A_542, %mul3A_756 : i32
          %add3A_758 = arith.addi %mul3A_2, %mul3A_757 : i32
          %mul3A_759 = arith.constant 2000 : i32
          %mul3A_760 = arith.muli %rem3A_755, %mul3A_759 : i32
          %dma_wait3A_761 = tpu.memref_slice %arg6[%mul3A_760] : memref<4000xi32, #tpu.memory_space<vmem>> -> memref<2000xi32, #tpu.memory_space<vmem>>
          %dma_wait3A_762 = tpu.memref_slice %arg3[%add3A_758] : memref<320000xi32, #tpu.memory_space<hbm>> -> memref<2000xi32, #tpu.memory_space<hbm>>
          %dma_wait3A_763 = tpu.memref_slice %arg6[%mul3A_760] : memref<4000xi32, #tpu.memory_space<vmem>> -> memref<2000xi32, #tpu.memory_space<vmem>>
          %dma_wait3A_764 = tpu.memref_slice %arg3[%add3A_758] : memref<320000xi32, #tpu.memory_space<hbm>> -> memref<2000xi32, #tpu.memory_space<hbm>>
          tpu.wait_dma2 semaphore(%arg12 : memref<!tpu.dma_semaphore, #tpu.memory_space<semaphore_mem>>) src(%dma_wait3A_764 : memref<2000xi32, #tpu.memory_space<hbm>>) dst(%dma_wait3A_763 : memref<2000xi32, #tpu.memory_space<vmem>>)
        } else {
        }
        %div3A_620 = arith.constant 25 : i32
        %div3A_621 = arith.divsi %scan3A_538, %div3A_620 : i32
        %rem3A_622 = arith.constant 2 : i32
        %rem3A_623 = arith.remsi %div3A_621, %rem3A_622 : i32
        %rem3A_624 = arith.constant 25 : i32
        %rem3A_625 = arith.remsi %scan3A_538, %rem3A_624 : i32
        %mul3A_626 = arith.constant 2000 : i32
        %mul3A_627 = arith.muli %rem3A_623, %mul3A_626 : i32
        %mul3A_628 = arith.constant 80 : i32
        %mul3A_629 = arith.muli %rem3A_625, %mul3A_628 : i32
        %add3A_630 = arith.addi %mul3A_627, %mul3A_629 : i32
        %add3A_631 = arith.constant 0 : i32
        %add3A_632 = arith.addi %add3A_630, %add3A_631 : i32
        %get3A_633 = arith.index_cast %add3A_632 : i32 to index
        %get3A_634 = tpu.vector_load %arg6[%get3A_633] {strides = array<i32>} : memref<4000xi32, #tpu.memory_space<vmem>>, vector<16xi32>,
        %get3A_635 = vector.shape_cast %get3A_634 : vector<16xi32> to vector<16xi32>
        %and3A_636 = arith.constant 65535 : i32
        %and3A_637 = vector.broadcast %and3A_636 : i32 to vector<16xi32>
        %and3A_638 = arith.andi %get3A_635, %and3A_637 : vector<16xi32>
        %swap3A_639 = arith.index_cast %rem3A_540 : i32 to index
        %swap3A_640 = arith.constant 0 : index
        %swap3A_641 = tpu.vector_load %arg7[%swap3A_639, %swap3A_640] {strides = array<i32>} : memref<4x80xi32, #tpu.memory_space<vmem>>, vector<1x16xi32>,
        %swap3A_642 = vector.shape_cast %swap3A_641 : vector<1x16xi32> to vector<16xi32>
        %swap3A_643 = vector.shape_cast %and3A_638 : vector<16xi32> to vector<1x16xi32>
        tpu.vector_store %arg7[%swap3A_639, %swap3A_640], %swap3A_643 {strides = array<i32>} : memref<4x80xi32, #tpu.memory_space<vmem>>, vector<1x16xi32>,
        %shift_right_logical3A_644 = arith.constant 16 : i32
        %shift_right_logical3A_645 = vector.broadcast %shift_right_logical3A_644 : i32 to vector<16xi32>
        %shift_right_logical3A_646 = arith.shrui %get3A_635, %shift_right_logical3A_645 : vector<16xi32>
        %swap3A_647 = arith.index_cast %rem3A_540 : i32 to index
        %swap3A_648 = arith.constant 0 : index
        %swap3A_649 = tpu.vector_load %arg8[%swap3A_647, %swap3A_648] {strides = array<i32>} : memref<4x80xi32, #tpu.memory_space<vmem>>, vector<1x16xi32>,
        %swap3A_650 = vector.shape_cast %swap3A_649 : vector<1x16xi32> to vector<16xi32>
        %swap3A_651 = vector.shape_cast %shift_right_logical3A_646 : vector<16xi32> to vector<1x16xi32>
        tpu.vector_store %arg8[%swap3A_647, %swap3A_648], %swap3A_651 {strides = array<i32>} : memref<4x80xi32, #tpu.memory_space<vmem>>, vector<1x16xi32>,
        %add3A_652 = arith.constant 16 : i32
        %add3A_653 = arith.addi %add3A_630, %add3A_652 : i32
        %get3A_654 = arith.index_cast %add3A_653 : i32 to index
        %get3A_655 = tpu.vector_load %arg6[%get3A_654] {strides = array<i32>} : memref<4000xi32, #tpu.memory_space<vmem>>, vector<16xi32>,
        %get3A_656 = vector.shape_cast %get3A_655 : vector<16xi32> to vector<16xi32>
        %and3A_657 = arith.constant 65535 : i32
        %and3A_658 = vector.broadcast %and3A_657 : i32 to vector<16xi32>
        %and3A_659 = arith.andi %get3A_656, %and3A_658 : vector<16xi32>
        %swap3A_660 = arith.index_cast %rem3A_540 : i32 to index
        %swap3A_661 = arith.constant 16 : index
        %swap3A_662 = tpu.vector_load %arg7[%swap3A_660, %swap3A_661] {strides = array<i32>} : memref<4x80xi32, #tpu.memory_space<vmem>>, vector<1x16xi32>,
        %swap3A_663 = vector.shape_cast %swap3A_662 : vector<1x16xi32> to vector<16xi32>
        %swap3A_664 = vector.shape_cast %and3A_659 : vector<16xi32> to vector<1x16xi32>
        tpu.vector_store %arg7[%swap3A_660, %swap3A_661], %swap3A_664 {strides = array<i32>} : memref<4x80xi32, #tpu.memory_space<vmem>>, vector<1x16xi32>,
        %shift_right_logical3A_665 = arith.constant 16 : i32
        %shift_right_logical3A_666 = vector.broadcast %shift_right_logical3A_665 : i32 to vector<16xi32>
        %shift_right_logical3A_667 = arith.shrui %get3A_656, %shift_right_logical3A_666 : vector<16xi32>
        %swap3A_668 = arith.index_cast %rem3A_540 : i32 to index
        %swap3A_669 = arith.constant 16 : index
        %swap3A_670 = tpu.vector_load %arg8[%swap3A_668, %swap3A_669] {strides = array<i32>} : memref<4x80xi32, #tpu.memory_space<vmem>>, vector<1x16xi32>,
        %swap3A_671 = vector.shape_cast %swap3A_670 : vector<1x16xi32> to vector<16xi32>
        %swap3A_672 = vector.shape_cast %shift_right_logical3A_667 : vector<16xi32> to vector<1x16xi32>
        tpu.vector_store %arg8[%swap3A_668, %swap3A_669], %swap3A_672 {strides = array<i32>} : memref<4x80xi32, #tpu.memory_space<vmem>>, vector<1x16xi32>,
        %add3A_673 = arith.constant 32 : i32
        %add3A_674 = arith.addi %add3A_630, %add3A_673 : i32
        %get3A_675 = arith.index_cast %add3A_674 : i32 to index
        %get3A_676 = tpu.vector_load %arg6[%get3A_675] {strides = array<i32>} : memref<4000xi32, #tpu.memory_space<vmem>>, vector<16xi32>,
        %get3A_677 = vector.shape_cast %get3A_676 : vector<16xi32> to vector<16xi32>
        %and3A_678 = arith.constant 65535 : i32
        %and3A_679 = vector.broadcast %and3A_678 : i32 to vector<16xi32>
        %and3A_680 = arith.andi %get3A_677, %and3A_679 : vector<16xi32>
        %swap3A_681 = arith.index_cast %rem3A_540 : i32 to index
        %swap3A_682 = arith.constant 32 : index
        %swap3A_683 = tpu.vector_load %arg7[%swap3A_681, %swap3A_682] {strides = array<i32>} : memref<4x80xi32, #tpu.memory_space<vmem>>, vector<1x16xi32>,
        %swap3A_684 = vector.shape_cast %swap3A_683 : vector<1x16xi32> to vector<16xi32>
        %swap3A_685 = vector.shape_cast %and3A_680 : vector<16xi32> to vector<1x16xi32>
        tpu.vector_store %arg7[%swap3A_681, %swap3A_682], %swap3A_685 {strides = array<i32>} : memref<4x80xi32, #tpu.memory_space<vmem>>, vector<1x16xi32>,
        %shift_right_logical3A_686 = arith.constant 16 : i32
        %shift_right_logical3A_687 = vector.broadcast %shift_right_logical3A_686 : i32 to vector<16xi32>
        %shift_right_logical3A_688 = arith.shrui %get3A_677, %shift_right_logical3A_687 : vector<16xi32>
        %swap3A_689 = arith.index_cast %rem3A_540 : i32 to index
        %swap3A_690 = arith.constant 32 : index
        %swap3A_691 = tpu.vector_load %arg8[%swap3A_689, %swap3A_690] {strides = array<i32>} : memref<4x80xi32, #tpu.memory_space<vmem>>, vector<1x16xi32>,
        %swap3A_692 = vector.shape_cast %swap3A_691 : vector<1x16xi32> to vector<16xi32>
        %swap3A_693 = vector.shape_cast %shift_right_logical3A_688 : vector<16xi32> to vector<1x16xi32>
        tpu.vector_store %arg8[%swap3A_689, %swap3A_690], %swap3A_693 {strides = array<i32>} : memref<4x80xi32, #tpu.memory_space<vmem>>, vector<1x16xi32>,
        %add3A_694 = arith.constant 48 : i32
        %add3A_695 = arith.addi %add3A_630, %add3A_694 : i32
        %get3A_696 = arith.index_cast %add3A_695 : i32 to index
        %get3A_697 = tpu.vector_load %arg6[%get3A_696] {strides = array<i32>} : memref<4000xi32, #tpu.memory_space<vmem>>, vector<16xi32>,
        %get3A_698 = vector.shape_cast %get3A_697 : vector<16xi32> to vector<16xi32>
        %and3A_699 = arith.constant 65535 : i32
        %and3A_700 = vector.broadcast %and3A_699 : i32 to vector<16xi32>
        %and3A_701 = arith.andi %get3A_698, %and3A_700 : vector<16xi32>
        %swap3A_702 = arith.index_cast %rem3A_540 : i32 to index
        %swap3A_703 = arith.constant 48 : index
        %swap3A_704 = tpu.vector_load %arg7[%swap3A_702, %swap3A_703] {strides = array<i32>} : memref<4x80xi32, #tpu.memory_space<vmem>>, vector<1x16xi32>,
        %swap3A_705 = vector.shape_cast %swap3A_704 : vector<1x16xi32> to vector<16xi32>
        %swap3A_706 = vector.shape_cast %and3A_701 : vector<16xi32> to vector<1x16xi32>
        tpu.vector_store %arg7[%swap3A_702, %swap3A_703], %swap3A_706 {strides = array<i32>} : memref<4x80xi32, #tpu.memory_space<vmem>>, vector<1x16xi32>,
        %shift_right_logical3A_707 = arith.constant 16 : i32
        %shift_right_logical3A_708 = vector.broadcast %shift_right_logical3A_707 : i32 to vector<16xi32>
        %shift_right_logical3A_709 = arith.shrui %get3A_698, %shift_right_logical3A_708 : vector<16xi32>
        %swap3A_710 = arith.index_cast %rem3A_540 : i32 to index
        %swap3A_711 = arith.constant 48 : index
        %swap3A_712 = tpu.vector_load %arg8[%swap3A_710, %swap3A_711] {strides = array<i32>} : memref<4x80xi32, #tpu.memory_space<vmem>>, vector<1x16xi32>,
        %swap3A_713 = vector.shape_cast %swap3A_712 : vector<1x16xi32> to vector<16xi32>
        %swap3A_714 = vector.shape_cast %shift_right_logical3A_709 : vector<16xi32> to vector<1x16xi32>
        tpu.vector_store %arg8[%swap3A_710, %swap3A_711], %swap3A_714 {strides = array<i32>} : memref<4x80xi32, #tpu.memory_space<vmem>>, vector<1x16xi32>,
        %add3A_715 = arith.constant 64 : i32
        %add3A_716 = arith.addi %add3A_630, %add3A_715 : i32
        %get3A_717 = arith.index_cast %add3A_716 : i32 to index
        %get3A_718 = tpu.vector_load %arg6[%get3A_717] {strides = array<i32>} : memref<4000xi32, #tpu.memory_space<vmem>>, vector<16xi32>,
        %get3A_719 = vector.shape_cast %get3A_718 : vector<16xi32> to vector<16xi32>
        %and3A_720 = arith.constant 65535 : i32
        %and3A_721 = vector.broadcast %and3A_720 : i32 to vector<16xi32>
        %and3A_722 = arith.andi %get3A_719, %and3A_721 : vector<16xi32>
        %swap3A_723 = arith.index_cast %rem3A_540 : i32 to index
        %swap3A_724 = arith.constant 64 : index
        %swap3A_725 = tpu.vector_load %arg7[%swap3A_723, %swap3A_724] {strides = array<i32>} : memref<4x80xi32, #tpu.memory_space<vmem>>, vector<1x16xi32>,
        %swap3A_726 = vector.shape_cast %swap3A_725 : vector<1x16xi32> to vector<16xi32>
        %swap3A_727 = vector.shape_cast %and3A_722 : vector<16xi32> to vector<1x16xi32>
        tpu.vector_store %arg7[%swap3A_723, %swap3A_724], %swap3A_727 {strides = array<i32>} : memref<4x80xi32, #tpu.memory_space<vmem>>, vector<1x16xi32>,
        %shift_right_logical3A_728 = arith.constant 16 : i32
        %shift_right_logical3A_729 = vector.broadcast %shift_right_logical3A_728 : i32 to vector<16xi32>
        %shift_right_logical3A_730 = arith.shrui %get3A_719, %shift_right_logical3A_729 : vector<16xi32>
        %swap3A_731 = arith.index_cast %rem3A_540 : i32 to index
        %swap3A_732 = arith.constant 64 : index
        %swap3A_733 = tpu.vector_load %arg8[%swap3A_731, %swap3A_732] {strides = array<i32>} : memref<4x80xi32, #tpu.memory_space<vmem>>, vector<1x16xi32>,
        %swap3A_734 = vector.shape_cast %swap3A_733 : vector<1x16xi32> to vector<16xi32>
        %swap3A_735 = vector.shape_cast %shift_right_logical3A_730 : vector<16xi32> to vector<1x16xi32>
        tpu.vector_store %arg8[%swap3A_731, %swap3A_732], %swap3A_735 {strides = array<i32>} : memref<4x80xi32, #tpu.memory_space<vmem>>, vector<1x16xi32>,
        %mul3A_736 = arith.constant 80 : i32
        %mul3A_737 = arith.muli %rem3A_540, %mul3A_736 : i32
        %dma_start3A_738 = arith.constant 0 : i32
        %dma_start3A_739 = tpu.memref_slice %arg9[%mul3A_737, %dma_start3A_738] : memref<320x128xf32, #tpu.memory_space<vmem>> -> memref<80x128xf32, #tpu.memory_space<vmem>>
        %dma_start3A_740 = arith.constant 0 : i32
        %dma_start3A_741 = tpu.memref_slice %arg7[%rem3A_540, %dma_start3A_740] : memref<4x80xi32, #tpu.memory_space<vmem>> -> memref<1x80xi32, #tpu.memory_space<vmem>>
        %dma_start3A_742 = tpu.memref_squeeze %dma_start3A_741 : memref<1x80xi32, #tpu.memory_space<vmem>> -> memref<80xi32, #tpu.memory_space<vmem>>
        %dma_start3A_743 = arith.constant 0 : i32
        %dma_start3A_744 = arith.constant 0 : i32
        %dma_start3A_745 = tpu.memref_slice %arg2[%dma_start3A_743, %dma_start3A_744] : memref<20000x128xf32, #tpu.memory_space<hbm>> -> memref<20000x128xf32, #tpu.memory_space<hbm>>
        tpu.enqueue_indirect_dma source(%dma_start3A_745 : memref<20000x128xf32, #tpu.memory_space<hbm>>) target(%dma_start3A_739 : memref<80x128xf32, #tpu.memory_space<vmem>>) offsets(%dma_start3A_742 : memref<80xi32, #tpu.memory_space<vmem>>) semaphore(%arg10 : memref<!tpu.dma_semaphore, #tpu.memory_space<semaphore_mem>>)
        %eq3A_746 = arith.constant 24 : i32
        %eq3A_747 = arith.cmpi eq, %rem3A_544, %eq3A_746 : i32
        %lt3A_748 = arith.constant 3 : i32
        %lt3A_749 = arith.cmpi slt, %div3A_542, %lt3A_748 : i32
        %and3A_750 = arith.andi %eq3A_747, %lt3A_749 : i1
        %convert_element_type3A_751 = arith.extui %and3A_750 : i1 to i32
        %cond3A_752 = arith.constant 0 : i32
        %cond3A_753 = arith.cmpi ne, %convert_element_type3A_751, %cond3A_752 : i32
        scf.if %cond3A_753 {
          %add3A_754 = arith.constant 2 : i32
          %add3A_755 = arith.addi %div3A_542, %add3A_754 : i32
          %rem3A_756 = arith.constant 2 : i32
          %rem3A_757 = arith.remsi %div3A_542, %rem3A_756 : i32
          %mul3A_758 = arith.constant 2000 : i32
          %mul3A_759 = arith.muli %add3A_755, %mul3A_758 : i32
          %add3A_760 = arith.addi %mul3A_2, %mul3A_759 : i32
          %mul3A_761 = arith.constant 2000 : i32
          %mul3A_762 = arith.muli %rem3A_757, %mul3A_761 : i32
          %dma_start3A_763 = tpu.memref_slice %arg6[%mul3A_762] : memref<4000xi32, #tpu.memory_space<vmem>> -> memref<2000xi32, #tpu.memory_space<vmem>>
          %dma_start3A_764 = tpu.memref_slice %arg3[%add3A_760] : memref<320000xi32, #tpu.memory_space<hbm>> -> memref<2000xi32, #tpu.memory_space<hbm>>
          %dma_start3A_765 = tpu.memref_slice %arg6[%mul3A_762] : memref<4000xi32, #tpu.memory_space<vmem>> -> memref<2000xi32, #tpu.memory_space<vmem>>
          %dma_start3A_766 = tpu.memref_slice %arg3[%add3A_760] : memref<320000xi32, #tpu.memory_space<hbm>> -> memref<2000xi32, #tpu.memory_space<hbm>>
          tpu.enqueue_dma source(%dma_start3A_766 : memref<2000xi32, #tpu.memory_space<hbm>>) target(%dma_start3A_765 : memref<2000xi32, #tpu.memory_space<vmem>>) target_semaphore(%arg12 : memref<!tpu.dma_semaphore, #tpu.memory_space<semaphore_mem>>)
        } else {
        }
      } else {
      }
      %sub3A_550 = arith.constant 3 : i32
      %sub3A_551 = arith.subi %scan3A_538, %sub3A_550 : i32
      %rem3A_552 = arith.constant 4 : i32
      %rem3A_553 = arith.remsi %sub3A_551, %rem3A_552 : i32
      %mul3A_554 = arith.constant 80 : i32
      %mul3A_555 = arith.muli %rem3A_553, %mul3A_554 : i32
      %dma_wait3A_556 = arith.constant 0 : i32
      %dma_wait3A_557 = tpu.memref_slice %arg9[%mul3A_555, %dma_wait3A_556] : memref<320x128xf32, #tpu.memory_space<vmem>> -> memref<80x128xf32, #tpu.memory_space<vmem>>
      %dma_wait3A_558 = arith.constant 0 : i32
      %dma_wait3A_559 = tpu.memref_slice %arg7[%rem3A_553, %dma_wait3A_558] : memref<4x80xi32, #tpu.memory_space<vmem>> -> memref<1x80xi32, #tpu.memory_space<vmem>>
      %dma_wait3A_560 = tpu.memref_squeeze %dma_wait3A_559 : memref<1x80xi32, #tpu.memory_space<vmem>> -> memref<80xi32, #tpu.memory_space<vmem>>
      %dma_wait3A_561 = arith.constant 0 : i32
      %dma_wait3A_562 = arith.constant 0 : i32
      %dma_wait3A_563 = tpu.memref_slice %arg2[%dma_wait3A_561, %dma_wait3A_562] : memref<20000x128xf32, #tpu.memory_space<hbm>> -> memref<20000x128xf32, #tpu.memory_space<hbm>>
      tpu.wait_indirect_dma semaphore(%arg10 : memref<!tpu.dma_semaphore, #tpu.memory_space<semaphore_mem>>) src(%dma_wait3A_563 : memref<20000x128xf32, #tpu.memory_space<hbm>>) dst(%dma_wait3A_557 : memref<80x128xf32, #tpu.memory_space<vmem>>)
      %mul3A_564 = arith.constant 80 : i32
      %mul3A_565 = arith.muli %rem3A_553, %mul3A_564 : i32
      %dma_start3A_566 = arith.constant 0 : i32
      %dma_start3A_567 = tpu.memref_slice %arg9[%mul3A_565, %dma_start3A_566] : memref<320x128xf32, #tpu.memory_space<vmem>> -> memref<80x128xf32, #tpu.memory_space<vmem>>
      %dma_start3A_568 = arith.constant 0 : i32
      %dma_start3A_569 = tpu.memref_slice %arg8[%rem3A_553, %dma_start3A_568] : memref<4x80xi32, #tpu.memory_space<vmem>> -> memref<1x80xi32, #tpu.memory_space<vmem>>
      %dma_start3A_570 = tpu.memref_squeeze %dma_start3A_569 : memref<1x80xi32, #tpu.memory_space<vmem>> -> memref<80xi32, #tpu.memory_space<vmem>>
      %dma_start3A_571 = arith.constant 0 : i32
      %dma_start3A_572 = arith.constant 0 : i32
      %dma_start3A_573 = tpu.memref_slice %arg5[%dma_start3A_571, %dma_start3A_572] : memref<10000x128xf32, #tpu.memory_space<vmem_shared>> -> memref<10000x128xf32, #tpu.memory_space<vmem_shared>>
      tpu.enqueue_indirect_dma source(%dma_start3A_567 : memref<80x128xf32, #tpu.memory_space<vmem>>) target(%dma_start3A_573 : memref<10000x128xf32, #tpu.memory_space<vmem_shared>>) offsets(%dma_start3A_570 : memref<80xi32, #tpu.memory_space<vmem>>) semaphore(%arg11 : memref<!tpu.dma_semaphore, #tpu.memory_space<semaphore_mem>>) {add = true}
      %scan3A_574 = arith.constant 1 : i32
      %scan3A_575 = arith.addi %scan3A_538, %scan3A_574 : i32
      %rem3A_576 = arith.constant 4 : i32
      %rem3A_577 = arith.remsi %scan3A_575, %rem3A_576 : i32
      %div3A_578 = arith.constant 25 : i32
      %div3A_579 = arith.divsi %scan3A_575, %div3A_578 : i32
      %rem3A_580 = arith.constant 25 : i32
      %rem3A_581 = arith.remsi %scan3A_575, %rem3A_580 : i32
      %lt3A_582 = arith.constant 125 : i32
      %lt3A_583 = arith.cmpi slt, %scan3A_575, %lt3A_582 : i32
      %convert_element_type3A_584 = arith.extui %lt3A_583 : i1 to i32
      %cond3A_585 = arith.constant 0 : i32
      %cond3A_586 = arith.cmpi ne, %convert_element_type3A_584, %cond3A_585 : i32
      scf.if %cond3A_586 {
        %ge3A = arith.constant 4 : i32
        %ge3A_611 = arith.cmpi sge, %scan3A_575, %ge3A : i32
        %convert_element_type3A_612 = arith.extui %ge3A_611 : i1 to i32
        %cond3A_613 = arith.constant 0 : i32
        %cond3A_614 = arith.cmpi ne, %convert_element_type3A_612, %cond3A_613 : i32
        scf.if %cond3A_614 {
          %mul3A_754 = arith.constant 80 : i32
          %mul3A_755 = arith.muli %rem3A_577, %mul3A_754 : i32
          %dma_wait3A_756 = arith.constant 0 : i32
          %dma_wait3A_757 = tpu.memref_slice %arg9[%mul3A_755, %dma_wait3A_756] : memref<320x128xf32, #tpu.memory_space<vmem>> -> memref<80x128xf32, #tpu.memory_space<vmem>>
          %dma_wait3A_758 = arith.constant 0 : i32
          %dma_wait3A_759 = tpu.memref_slice %arg8[%rem3A_577, %dma_wait3A_758] : memref<4x80xi32, #tpu.memory_space<vmem>> -> memref<1x80xi32, #tpu.memory_space<vmem>>
          %dma_wait3A_760 = tpu.memref_squeeze %dma_wait3A_759 : memref<1x80xi32, #tpu.memory_space<vmem>> -> memref<80xi32, #tpu.memory_space<vmem>>
          %dma_wait3A_761 = arith.constant 0 : i32
          %dma_wait3A_762 = arith.constant 0 : i32
          %dma_wait3A_763 = tpu.memref_slice %arg5[%dma_wait3A_761, %dma_wait3A_762] : memref<10000x128xf32, #tpu.memory_space<vmem_shared>> -> memref<10000x128xf32, #tpu.memory_space<vmem_shared>>
          tpu.wait_indirect_dma semaphore(%arg11 : memref<!tpu.dma_semaphore, #tpu.memory_space<semaphore_mem>>) src(%dma_wait3A_757 : memref<80x128xf32, #tpu.memory_space<vmem>>) dst(%dma_wait3A_763 : memref<10000x128xf32, #tpu.memory_space<vmem_shared>>)
        } else {
        }
        %eq3A_615 = arith.constant 0 : i32
        %eq3A_616 = arith.cmpi eq, %rem3A_581, %eq3A_615 : i32
        %convert_element_type3A_617 = arith.extui %eq3A_616 : i1 to i32
        %cond3A_618 = arith.constant 0 : i32
        %cond3A_619 = arith.cmpi ne, %convert_element_type3A_617, %cond3A_618 : i32
        scf.if %cond3A_619 {
          %rem3A_754 = arith.constant 2 : i32
          %rem3A_755 = arith.remsi %div3A_579, %rem3A_754 : i32
          %mul3A_756 = arith.constant 2000 : i32
          %mul3A_757 = arith.muli %div3A_579, %mul3A_756 : i32
          %add3A_758 = arith.addi %mul3A_2, %mul3A_757 : i32
          %mul3A_759 = arith.constant 2000 : i32
          %mul3A_760 = arith.muli %rem3A_755, %mul3A_759 : i32
          %dma_wait3A_761 = tpu.memref_slice %arg6[%mul3A_760] : memref<4000xi32, #tpu.memory_space<vmem>> -> memref<2000xi32, #tpu.memory_space<vmem>>
          %dma_wait3A_762 = tpu.memref_slice %arg3[%add3A_758] : memref<320000xi32, #tpu.memory_space<hbm>> -> memref<2000xi32, #tpu.memory_space<hbm>>
          %dma_wait3A_763 = tpu.memref_slice %arg6[%mul3A_760] : memref<4000xi32, #tpu.memory_space<vmem>> -> memref<2000xi32, #tpu.memory_space<vmem>>
          %dma_wait3A_764 = tpu.memref_slice %arg3[%add3A_758] : memref<320000xi32, #tpu.memory_space<hbm>> -> memref<2000xi32, #tpu.memory_space<hbm>>
          tpu.wait_dma2 semaphore(%arg12 : memref<!tpu.dma_semaphore, #tpu.memory_space<semaphore_mem>>) src(%dma_wait3A_764 : memref<2000xi32, #tpu.memory_space<hbm>>) dst(%dma_wait3A_763 : memref<2000xi32, #tpu.memory_space<vmem>>)
        } else {
        }
        %div3A_620 = arith.constant 25 : i32
        %div3A_621 = arith.divsi %scan3A_575, %div3A_620 : i32
        %rem3A_622 = arith.constant 2 : i32
        %rem3A_623 = arith.remsi %div3A_621, %rem3A_622 : i32
        %rem3A_624 = arith.constant 25 : i32
        %rem3A_625 = arith.remsi %scan3A_575, %rem3A_624 : i32
        %mul3A_626 = arith.constant 2000 : i32
        %mul3A_627 = arith.muli %rem3A_623, %mul3A_626 : i32
        %mul3A_628 = arith.constant 80 : i32
        %mul3A_629 = arith.muli %rem3A_625, %mul3A_628 : i32
        %add3A_630 = arith.addi %mul3A_627, %mul3A_629 : i32
        %add3A_631 = arith.constant 0 : i32
        %add3A_632 = arith.addi %add3A_630, %add3A_631 : i32
        %get3A_633 = arith.index_cast %add3A_632 : i32 to index
        %get3A_634 = tpu.vector_load %arg6[%get3A_633] {strides = array<i32>} : memref<4000xi32, #tpu.memory_space<vmem>>, vector<16xi32>,
        %get3A_635 = vector.shape_cast %get3A_634 : vector<16xi32> to vector<16xi32>
        %and3A_636 = arith.constant 65535 : i32
        %and3A_637 = vector.broadcast %and3A_636 : i32 to vector<16xi32>
        %and3A_638 = arith.andi %get3A_635, %and3A_637 : vector<16xi32>
        %swap3A_639 = arith.index_cast %rem3A_577 : i32 to index
        %swap3A_640 = arith.constant 0 : index
        %swap3A_641 = tpu.vector_load %arg7[%swap3A_639, %swap3A_640] {strides = array<i32>} : memref<4x80xi32, #tpu.memory_space<vmem>>, vector<1x16xi32>,
        %swap3A_642 = vector.shape_cast %swap3A_641 : vector<1x16xi32> to vector<16xi32>
        %swap3A_643 = vector.shape_cast %and3A_638 : vector<16xi32> to vector<1x16xi32>
        tpu.vector_store %arg7[%swap3A_639, %swap3A_640], %swap3A_643 {strides = array<i32>} : memref<4x80xi32, #tpu.memory_space<vmem>>, vector<1x16xi32>,
        %shift_right_logical3A_644 = arith.constant 16 : i32
        %shift_right_logical3A_645 = vector.broadcast %shift_right_logical3A_644 : i32 to vector<16xi32>
        %shift_right_logical3A_646 = arith.shrui %get3A_635, %shift_right_logical3A_645 : vector<16xi32>
        %swap3A_647 = arith.index_cast %rem3A_577 : i32 to index
        %swap3A_648 = arith.constant 0 : index
        %swap3A_649 = tpu.vector_load %arg8[%swap3A_647, %swap3A_648] {strides = array<i32>} : memref<4x80xi32, #tpu.memory_space<vmem>>, vector<1x16xi32>,
        %swap3A_650 = vector.shape_cast %swap3A_649 : vector<1x16xi32> to vector<16xi32>
        %swap3A_651 = vector.shape_cast %shift_right_logical3A_646 : vector<16xi32> to vector<1x16xi32>
        tpu.vector_store %arg8[%swap3A_647, %swap3A_648], %swap3A_651 {strides = array<i32>} : memref<4x80xi32, #tpu.memory_space<vmem>>, vector<1x16xi32>,
        %add3A_652 = arith.constant 16 : i32
        %add3A_653 = arith.addi %add3A_630, %add3A_652 : i32
        %get3A_654 = arith.index_cast %add3A_653 : i32 to index
        %get3A_655 = tpu.vector_load %arg6[%get3A_654] {strides = array<i32>} : memref<4000xi32, #tpu.memory_space<vmem>>, vector<16xi32>,
        %get3A_656 = vector.shape_cast %get3A_655 : vector<16xi32> to vector<16xi32>
        %and3A_657 = arith.constant 65535 : i32
        %and3A_658 = vector.broadcast %and3A_657 : i32 to vector<16xi32>
        %and3A_659 = arith.andi %get3A_656, %and3A_658 : vector<16xi32>
        %swap3A_660 = arith.index_cast %rem3A_577 : i32 to index
        %swap3A_661 = arith.constant 16 : index
        %swap3A_662 = tpu.vector_load %arg7[%swap3A_660, %swap3A_661] {strides = array<i32>} : memref<4x80xi32, #tpu.memory_space<vmem>>, vector<1x16xi32>,
        %swap3A_663 = vector.shape_cast %swap3A_662 : vector<1x16xi32> to vector<16xi32>
        %swap3A_664 = vector.shape_cast %and3A_659 : vector<16xi32> to vector<1x16xi32>
        tpu.vector_store %arg7[%swap3A_660, %swap3A_661], %swap3A_664 {strides = array<i32>} : memref<4x80xi32, #tpu.memory_space<vmem>>, vector<1x16xi32>,
        %shift_right_logical3A_665 = arith.constant 16 : i32
        %shift_right_logical3A_666 = vector.broadcast %shift_right_logical3A_665 : i32 to vector<16xi32>
        %shift_right_logical3A_667 = arith.shrui %get3A_656, %shift_right_logical3A_666 : vector<16xi32>
        %swap3A_668 = arith.index_cast %rem3A_577 : i32 to index
        %swap3A_669 = arith.constant 16 : index
        %swap3A_670 = tpu.vector_load %arg8[%swap3A_668, %swap3A_669] {strides = array<i32>} : memref<4x80xi32, #tpu.memory_space<vmem>>, vector<1x16xi32>,
        %swap3A_671 = vector.shape_cast %swap3A_670 : vector<1x16xi32> to vector<16xi32>
        %swap3A_672 = vector.shape_cast %shift_right_logical3A_667 : vector<16xi32> to vector<1x16xi32>
        tpu.vector_store %arg8[%swap3A_668, %swap3A_669], %swap3A_672 {strides = array<i32>} : memref<4x80xi32, #tpu.memory_space<vmem>>, vector<1x16xi32>,
        %add3A_673 = arith.constant 32 : i32
        %add3A_674 = arith.addi %add3A_630, %add3A_673 : i32
        %get3A_675 = arith.index_cast %add3A_674 : i32 to index
        %get3A_676 = tpu.vector_load %arg6[%get3A_675] {strides = array<i32>} : memref<4000xi32, #tpu.memory_space<vmem>>, vector<16xi32>,
        %get3A_677 = vector.shape_cast %get3A_676 : vector<16xi32> to vector<16xi32>
        %and3A_678 = arith.constant 65535 : i32
        %and3A_679 = vector.broadcast %and3A_678 : i32 to vector<16xi32>
        %and3A_680 = arith.andi %get3A_677, %and3A_679 : vector<16xi32>
        %swap3A_681 = arith.index_cast %rem3A_577 : i32 to index
        %swap3A_682 = arith.constant 32 : index
        %swap3A_683 = tpu.vector_load %arg7[%swap3A_681, %swap3A_682] {strides = array<i32>} : memref<4x80xi32, #tpu.memory_space<vmem>>, vector<1x16xi32>,
        %swap3A_684 = vector.shape_cast %swap3A_683 : vector<1x16xi32> to vector<16xi32>
        %swap3A_685 = vector.shape_cast %and3A_680 : vector<16xi32> to vector<1x16xi32>
        tpu.vector_store %arg7[%swap3A_681, %swap3A_682], %swap3A_685 {strides = array<i32>} : memref<4x80xi32, #tpu.memory_space<vmem>>, vector<1x16xi32>,
        %shift_right_logical3A_686 = arith.constant 16 : i32
        %shift_right_logical3A_687 = vector.broadcast %shift_right_logical3A_686 : i32 to vector<16xi32>
        %shift_right_logical3A_688 = arith.shrui %get3A_677, %shift_right_logical3A_687 : vector<16xi32>
        %swap3A_689 = arith.index_cast %rem3A_577 : i32 to index
        %swap3A_690 = arith.constant 32 : index
        %swap3A_691 = tpu.vector_load %arg8[%swap3A_689, %swap3A_690] {strides = array<i32>} : memref<4x80xi32, #tpu.memory_space<vmem>>, vector<1x16xi32>,
        %swap3A_692 = vector.shape_cast %swap3A_691 : vector<1x16xi32> to vector<16xi32>
        %swap3A_693 = vector.shape_cast %shift_right_logical3A_688 : vector<16xi32> to vector<1x16xi32>
        tpu.vector_store %arg8[%swap3A_689, %swap3A_690], %swap3A_693 {strides = array<i32>} : memref<4x80xi32, #tpu.memory_space<vmem>>, vector<1x16xi32>,
        %add3A_694 = arith.constant 48 : i32
        %add3A_695 = arith.addi %add3A_630, %add3A_694 : i32
        %get3A_696 = arith.index_cast %add3A_695 : i32 to index
        %get3A_697 = tpu.vector_load %arg6[%get3A_696] {strides = array<i32>} : memref<4000xi32, #tpu.memory_space<vmem>>, vector<16xi32>,
        %get3A_698 = vector.shape_cast %get3A_697 : vector<16xi32> to vector<16xi32>
        %and3A_699 = arith.constant 65535 : i32
        %and3A_700 = vector.broadcast %and3A_699 : i32 to vector<16xi32>
        %and3A_701 = arith.andi %get3A_698, %and3A_700 : vector<16xi32>
        %swap3A_702 = arith.index_cast %rem3A_577 : i32 to index
        %swap3A_703 = arith.constant 48 : index
        %swap3A_704 = tpu.vector_load %arg7[%swap3A_702, %swap3A_703] {strides = array<i32>} : memref<4x80xi32, #tpu.memory_space<vmem>>, vector<1x16xi32>,
        %swap3A_705 = vector.shape_cast %swap3A_704 : vector<1x16xi32> to vector<16xi32>
        %swap3A_706 = vector.shape_cast %and3A_701 : vector<16xi32> to vector<1x16xi32>
        tpu.vector_store %arg7[%swap3A_702, %swap3A_703], %swap3A_706 {strides = array<i32>} : memref<4x80xi32, #tpu.memory_space<vmem>>, vector<1x16xi32>,
        %shift_right_logical3A_707 = arith.constant 16 : i32
        %shift_right_logical3A_708 = vector.broadcast %shift_right_logical3A_707 : i32 to vector<16xi32>
        %shift_right_logical3A_709 = arith.shrui %get3A_698, %shift_right_logical3A_708 : vector<16xi32>
        %swap3A_710 = arith.index_cast %rem3A_577 : i32 to index
        %swap3A_711 = arith.constant 48 : index
        %swap3A_712 = tpu.vector_load %arg8[%swap3A_710, %swap3A_711] {strides = array<i32>} : memref<4x80xi32, #tpu.memory_space<vmem>>, vector<1x16xi32>,
        %swap3A_713 = vector.shape_cast %swap3A_712 : vector<1x16xi32> to vector<16xi32>
        %swap3A_714 = vector.shape_cast %shift_right_logical3A_709 : vector<16xi32> to vector<1x16xi32>
        tpu.vector_store %arg8[%swap3A_710, %swap3A_711], %swap3A_714 {strides = array<i32>} : memref<4x80xi32, #tpu.memory_space<vmem>>, vector<1x16xi32>,
        %add3A_715 = arith.constant 64 : i32
        %add3A_716 = arith.addi %add3A_630, %add3A_715 : i32
        %get3A_717 = arith.index_cast %add3A_716 : i32 to index
        %get3A_718 = tpu.vector_load %arg6[%get3A_717] {strides = array<i32>} : memref<4000xi32, #tpu.memory_space<vmem>>, vector<16xi32>,
        %get3A_719 = vector.shape_cast %get3A_718 : vector<16xi32> to vector<16xi32>
        %and3A_720 = arith.constant 65535 : i32
        %and3A_721 = vector.broadcast %and3A_720 : i32 to vector<16xi32>
        %and3A_722 = arith.andi %get3A_719, %and3A_721 : vector<16xi32>
        %swap3A_723 = arith.index_cast %rem3A_577 : i32 to index
        %swap3A_724 = arith.constant 64 : index
        %swap3A_725 = tpu.vector_load %arg7[%swap3A_723, %swap3A_724] {strides = array<i32>} : memref<4x80xi32, #tpu.memory_space<vmem>>, vector<1x16xi32>,
        %swap3A_726 = vector.shape_cast %swap3A_725 : vector<1x16xi32> to vector<16xi32>
        %swap3A_727 = vector.shape_cast %and3A_722 : vector<16xi32> to vector<1x16xi32>
        tpu.vector_store %arg7[%swap3A_723, %swap3A_724], %swap3A_727 {strides = array<i32>} : memref<4x80xi32, #tpu.memory_space<vmem>>, vector<1x16xi32>,
        %shift_right_logical3A_728 = arith.constant 16 : i32
        %shift_right_logical3A_729 = vector.broadcast %shift_right_logical3A_728 : i32 to vector<16xi32>
        %shift_right_logical3A_730 = arith.shrui %get3A_719, %shift_right_logical3A_729 : vector<16xi32>
        %swap3A_731 = arith.index_cast %rem3A_577 : i32 to index
        %swap3A_732 = arith.constant 64 : index
        %swap3A_733 = tpu.vector_load %arg8[%swap3A_731, %swap3A_732] {strides = array<i32>} : memref<4x80xi32, #tpu.memory_space<vmem>>, vector<1x16xi32>,
        %swap3A_734 = vector.shape_cast %swap3A_733 : vector<1x16xi32> to vector<16xi32>
        %swap3A_735 = vector.shape_cast %shift_right_logical3A_730 : vector<16xi32> to vector<1x16xi32>
        tpu.vector_store %arg8[%swap3A_731, %swap3A_732], %swap3A_735 {strides = array<i32>} : memref<4x80xi32, #tpu.memory_space<vmem>>, vector<1x16xi32>,
        %mul3A_736 = arith.constant 80 : i32
        %mul3A_737 = arith.muli %rem3A_577, %mul3A_736 : i32
        %dma_start3A_738 = arith.constant 0 : i32
        %dma_start3A_739 = tpu.memref_slice %arg9[%mul3A_737, %dma_start3A_738] : memref<320x128xf32, #tpu.memory_space<vmem>> -> memref<80x128xf32, #tpu.memory_space<vmem>>
        %dma_start3A_740 = arith.constant 0 : i32
        %dma_start3A_741 = tpu.memref_slice %arg7[%rem3A_577, %dma_start3A_740] : memref<4x80xi32, #tpu.memory_space<vmem>> -> memref<1x80xi32, #tpu.memory_space<vmem>>
        %dma_start3A_742 = tpu.memref_squeeze %dma_start3A_741 : memref<1x80xi32, #tpu.memory_space<vmem>> -> memref<80xi32, #tpu.memory_space<vmem>>
        %dma_start3A_743 = arith.constant 0 : i32
        %dma_start3A_744 = arith.constant 0 : i32
        %dma_start3A_745 = tpu.memref_slice %arg2[%dma_start3A_743, %dma_start3A_744] : memref<20000x128xf32, #tpu.memory_space<hbm>> -> memref<20000x128xf32, #tpu.memory_space<hbm>>
        tpu.enqueue_indirect_dma source(%dma_start3A_745 : memref<20000x128xf32, #tpu.memory_space<hbm>>) target(%dma_start3A_739 : memref<80x128xf32, #tpu.memory_space<vmem>>) offsets(%dma_start3A_742 : memref<80xi32, #tpu.memory_space<vmem>>) semaphore(%arg10 : memref<!tpu.dma_semaphore, #tpu.memory_space<semaphore_mem>>)
        %eq3A_746 = arith.constant 24 : i32
        %eq3A_747 = arith.cmpi eq, %rem3A_581, %eq3A_746 : i32
        %lt3A_748 = arith.constant 3 : i32
        %lt3A_749 = arith.cmpi slt, %div3A_579, %lt3A_748 : i32
        %and3A_750 = arith.andi %eq3A_747, %lt3A_749 : i1
        %convert_element_type3A_751 = arith.extui %and3A_750 : i1 to i32
        %cond3A_752 = arith.constant 0 : i32
        %cond3A_753 = arith.cmpi ne, %convert_element_type3A_751, %cond3A_752 : i32
        scf.if %cond3A_753 {
          %add3A_754 = arith.constant 2 : i32
          %add3A_755 = arith.addi %div3A_579, %add3A_754 : i32
          %rem3A_756 = arith.constant 2 : i32
          %rem3A_757 = arith.remsi %div3A_579, %rem3A_756 : i32
          %mul3A_758 = arith.constant 2000 : i32
          %mul3A_759 = arith.muli %add3A_755, %mul3A_758 : i32
          %add3A_760 = arith.addi %mul3A_2, %mul3A_759 : i32
          %mul3A_761 = arith.constant 2000 : i32
          %mul3A_762 = arith.muli %rem3A_757, %mul3A_761 : i32
          %dma_start3A_763 = tpu.memref_slice %arg6[%mul3A_762] : memref<4000xi32, #tpu.memory_space<vmem>> -> memref<2000xi32, #tpu.memory_space<vmem>>
          %dma_start3A_764 = tpu.memref_slice %arg3[%add3A_760] : memref<320000xi32, #tpu.memory_space<hbm>> -> memref<2000xi32, #tpu.memory_space<hbm>>
          %dma_start3A_765 = tpu.memref_slice %arg6[%mul3A_762] : memref<4000xi32, #tpu.memory_space<vmem>> -> memref<2000xi32, #tpu.memory_space<vmem>>
          %dma_start3A_766 = tpu.memref_slice %arg3[%add3A_760] : memref<320000xi32, #tpu.memory_space<hbm>> -> memref<2000xi32, #tpu.memory_space<hbm>>
          tpu.enqueue_dma source(%dma_start3A_766 : memref<2000xi32, #tpu.memory_space<hbm>>) target(%dma_start3A_765 : memref<2000xi32, #tpu.memory_space<vmem>>) target_semaphore(%arg12 : memref<!tpu.dma_semaphore, #tpu.memory_space<semaphore_mem>>)
        } else {
        }
      } else {
      }
      %sub3A_587 = arith.constant 3 : i32
      %sub3A_588 = arith.subi %scan3A_575, %sub3A_587 : i32
      %rem3A_589 = arith.constant 4 : i32
      %rem3A_590 = arith.remsi %sub3A_588, %rem3A_589 : i32
      %mul3A_591 = arith.constant 80 : i32
      %mul3A_592 = arith.muli %rem3A_590, %mul3A_591 : i32
      %dma_wait3A_593 = arith.constant 0 : i32
      %dma_wait3A_594 = tpu.memref_slice %arg9[%mul3A_592, %dma_wait3A_593] : memref<320x128xf32, #tpu.memory_space<vmem>> -> memref<80x128xf32, #tpu.memory_space<vmem>>
      %dma_wait3A_595 = arith.constant 0 : i32
      %dma_wait3A_596 = tpu.memref_slice %arg7[%rem3A_590, %dma_wait3A_595] : memref<4x80xi32, #tpu.memory_space<vmem>> -> memref<1x80xi32, #tpu.memory_space<vmem>>
      %dma_wait3A_597 = tpu.memref_squeeze %dma_wait3A_596 : memref<1x80xi32, #tpu.memory_space<vmem>> -> memref<80xi32, #tpu.memory_space<vmem>>
      %dma_wait3A_598 = arith.constant 0 : i32
      %dma_wait3A_599 = arith.constant 0 : i32
      %dma_wait3A_600 = tpu.memref_slice %arg2[%dma_wait3A_598, %dma_wait3A_599] : memref<20000x128xf32, #tpu.memory_space<hbm>> -> memref<20000x128xf32, #tpu.memory_space<hbm>>
      tpu.wait_indirect_dma semaphore(%arg10 : memref<!tpu.dma_semaphore, #tpu.memory_space<semaphore_mem>>) src(%dma_wait3A_600 : memref<20000x128xf32, #tpu.memory_space<hbm>>) dst(%dma_wait3A_594 : memref<80x128xf32, #tpu.memory_space<vmem>>)
      %mul3A_601 = arith.constant 80 : i32
      %mul3A_602 = arith.muli %rem3A_590, %mul3A_601 : i32
      %dma_start3A_603 = arith.constant 0 : i32
      %dma_start3A_604 = tpu.memref_slice %arg9[%mul3A_602, %dma_start3A_603] : memref<320x128xf32, #tpu.memory_space<vmem>> -> memref<80x128xf32, #tpu.memory_space<vmem>>
      %dma_start3A_605 = arith.constant 0 : i32
      %dma_start3A_606 = tpu.memref_slice %arg8[%rem3A_590, %dma_start3A_605] : memref<4x80xi32, #tpu.memory_space<vmem>> -> memref<1x80xi32, #tpu.memory_space<vmem>>
      %dma_start3A_607 = tpu.memref_squeeze %dma_start3A_606 : memref<1x80xi32, #tpu.memory_space<vmem>> -> memref<80xi32, #tpu.memory_space<vmem>>
      %dma_start3A_608 = arith.constant 0 : i32
      %dma_start3A_609 = arith.constant 0 : i32
      %dma_start3A_610 = tpu.memref_slice %arg5[%dma_start3A_608, %dma_start3A_609] : memref<10000x128xf32, #tpu.memory_space<vmem_shared>> -> memref<10000x128xf32, #tpu.memory_space<vmem_shared>>
      tpu.enqueue_indirect_dma source(%dma_start3A_604 : memref<80x128xf32, #tpu.memory_space<vmem>>) target(%dma_start3A_610 : memref<10000x128xf32, #tpu.memory_space<vmem_shared>>) offsets(%dma_start3A_607 : memref<80xi32, #tpu.memory_space<vmem>>) semaphore(%arg11 : memref<!tpu.dma_semaphore, #tpu.memory_space<semaphore_mem>>) {add = true}
    }
    %scan3A_450 = arith.constant 124 : i32
    %scan3A_451 = arith.addi %scan3A_446, %scan3A_450 : i32
    %rem3A_452 = arith.constant 4 : i32
    %rem3A_453 = arith.remsi %scan3A_451, %rem3A_452 : i32
    %div3A_454 = arith.constant 25 : i32
    %div3A_455 = arith.divsi %scan3A_451, %div3A_454 : i32
    %rem3A_456 = arith.constant 25 : i32
    %rem3A_457 = arith.remsi %scan3A_451, %rem3A_456 : i32
    %lt3A_458 = arith.constant 125 : i32
    %lt3A_459 = arith.cmpi slt, %scan3A_451, %lt3A_458 : i32
    %convert_element_type3A_460 = arith.extui %lt3A_459 : i1 to i32
    %cond3A_461 = arith.constant 0 : i32
    %cond3A_462 = arith.cmpi ne, %convert_element_type3A_460, %cond3A_461 : i32
    scf.if %cond3A_462 {
      %ge3A = arith.constant 4 : i32
      %ge3A_538 = arith.cmpi sge, %scan3A_451, %ge3A : i32
      %convert_element_type3A_539 = arith.extui %ge3A_538 : i1 to i32
      %cond3A_540 = arith.constant 0 : i32
      %cond3A_541 = arith.cmpi ne, %convert_element_type3A_539, %cond3A_540 : i32
      scf.if %cond3A_541 {
        %mul3A_681 = arith.constant 80 : i32
        %mul3A_682 = arith.muli %rem3A_453, %mul3A_681 : i32
        %dma_wait3A_683 = arith.constant 0 : i32
        %dma_wait3A_684 = tpu.memref_slice %arg9[%mul3A_682, %dma_wait3A_683] : memref<320x128xf32, #tpu.memory_space<vmem>> -> memref<80x128xf32, #tpu.memory_space<vmem>>
        %dma_wait3A_685 = arith.constant 0 : i32
        %dma_wait3A_686 = tpu.memref_slice %arg8[%rem3A_453, %dma_wait3A_685] : memref<4x80xi32, #tpu.memory_space<vmem>> -> memref<1x80xi32, #tpu.memory_space<vmem>>
        %dma_wait3A_687 = tpu.memref_squeeze %dma_wait3A_686 : memref<1x80xi32, #tpu.memory_space<vmem>> -> memref<80xi32, #tpu.memory_space<vmem>>
        %dma_wait3A_688 = arith.constant 0 : i32
        %dma_wait3A_689 = arith.constant 0 : i32
        %dma_wait3A_690 = tpu.memref_slice %arg5[%dma_wait3A_688, %dma_wait3A_689] : memref<10000x128xf32, #tpu.memory_space<vmem_shared>> -> memref<10000x128xf32, #tpu.memory_space<vmem_shared>>
        tpu.wait_indirect_dma semaphore(%arg11 : memref<!tpu.dma_semaphore, #tpu.memory_space<semaphore_mem>>) src(%dma_wait3A_684 : memref<80x128xf32, #tpu.memory_space<vmem>>) dst(%dma_wait3A_690 : memref<10000x128xf32, #tpu.memory_space<vmem_shared>>)
      } else {
      }
      %eq3A_542 = arith.constant 0 : i32
      %eq3A_543 = arith.cmpi eq, %rem3A_457, %eq3A_542 : i32
      %convert_element_type3A_544 = arith.extui %eq3A_543 : i1 to i32
      %cond3A_545 = arith.constant 0 : i32
      %cond3A_546 = arith.cmpi ne, %convert_element_type3A_544, %cond3A_545 : i32
      scf.if %cond3A_546 {
        %rem3A_681 = arith.constant 2 : i32
        %rem3A_682 = arith.remsi %div3A_455, %rem3A_681 : i32
        %mul3A_683 = arith.constant 2000 : i32
        %mul3A_684 = arith.muli %div3A_455, %mul3A_683 : i32
        %add3A_685 = arith.addi %mul3A_2, %mul3A_684 : i32
        %mul3A_686 = arith.constant 2000 : i32
        %mul3A_687 = arith.muli %rem3A_682, %mul3A_686 : i32
        %dma_wait3A_688 = tpu.memref_slice %arg6[%mul3A_687] : memref<4000xi32, #tpu.memory_space<vmem>> -> memref<2000xi32, #tpu.memory_space<vmem>>
        %dma_wait3A_689 = tpu.memref_slice %arg3[%add3A_685] : memref<320000xi32, #tpu.memory_space<hbm>> -> memref<2000xi32, #tpu.memory_space<hbm>>
        %dma_wait3A_690 = tpu.memref_slice %arg6[%mul3A_687] : memref<4000xi32, #tpu.memory_space<vmem>> -> memref<2000xi32, #tpu.memory_space<vmem>>
        %dma_wait3A_691 = tpu.memref_slice %arg3[%add3A_685] : memref<320000xi32, #tpu.memory_space<hbm>> -> memref<2000xi32, #tpu.memory_space<hbm>>
        tpu.wait_dma2 semaphore(%arg12 : memref<!tpu.dma_semaphore, #tpu.memory_space<semaphore_mem>>) src(%dma_wait3A_691 : memref<2000xi32, #tpu.memory_space<hbm>>) dst(%dma_wait3A_690 : memref<2000xi32, #tpu.memory_space<vmem>>)
      } else {
      }
      %div3A_547 = arith.constant 25 : i32
      %div3A_548 = arith.divsi %scan3A_451, %div3A_547 : i32
      %rem3A_549 = arith.constant 2 : i32
      %rem3A_550 = arith.remsi %div3A_548, %rem3A_549 : i32
      %rem3A_551 = arith.constant 25 : i32
      %rem3A_552 = arith.remsi %scan3A_451, %rem3A_551 : i32
      %mul3A_553 = arith.constant 2000 : i32
      %mul3A_554 = arith.muli %rem3A_550, %mul3A_553 : i32
      %mul3A_555 = arith.constant 80 : i32
      %mul3A_556 = arith.muli %rem3A_552, %mul3A_555 : i32
      %add3A_557 = arith.addi %mul3A_554, %mul3A_556 : i32
      %add3A_558 = arith.constant 0 : i32
      %add3A_559 = arith.addi %add3A_557, %add3A_558 : i32
      %get3A_560 = arith.index_cast %add3A_559 : i32 to index
      %get3A_561 = tpu.vector_load %arg6[%get3A_560] {strides = array<i32>} : memref<4000xi32, #tpu.memory_space<vmem>>, vector<16xi32>,
      %get3A_562 = vector.shape_cast %get3A_561 : vector<16xi32> to vector<16xi32>
      %and3A_563 = arith.constant 65535 : i32
      %and3A_564 = vector.broadcast %and3A_563 : i32 to vector<16xi32>
      %and3A_565 = arith.andi %get3A_562, %and3A_564 : vector<16xi32>
      %swap3A_566 = arith.index_cast %rem3A_453 : i32 to index
      %swap3A_567 = arith.constant 0 : index
      %swap3A_568 = tpu.vector_load %arg7[%swap3A_566, %swap3A_567] {strides = array<i32>} : memref<4x80xi32, #tpu.memory_space<vmem>>, vector<1x16xi32>,
      %swap3A_569 = vector.shape_cast %swap3A_568 : vector<1x16xi32> to vector<16xi32>
      %swap3A_570 = vector.shape_cast %and3A_565 : vector<16xi32> to vector<1x16xi32>
      tpu.vector_store %arg7[%swap3A_566, %swap3A_567], %swap3A_570 {strides = array<i32>} : memref<4x80xi32, #tpu.memory_space<vmem>>, vector<1x16xi32>,
      %shift_right_logical3A_571 = arith.constant 16 : i32
      %shift_right_logical3A_572 = vector.broadcast %shift_right_logical3A_571 : i32 to vector<16xi32>
      %shift_right_logical3A_573 = arith.shrui %get3A_562, %shift_right_logical3A_572 : vector<16xi32>
      %swap3A_574 = arith.index_cast %rem3A_453 : i32 to index
      %swap3A_575 = arith.constant 0 : index
      %swap3A_576 = tpu.vector_load %arg8[%swap3A_574, %swap3A_575] {strides = array<i32>} : memref<4x80xi32, #tpu.memory_space<vmem>>, vector<1x16xi32>,
      %swap3A_577 = vector.shape_cast %swap3A_576 : vector<1x16xi32> to vector<16xi32>
      %swap3A_578 = vector.shape_cast %shift_right_logical3A_573 : vector<16xi32> to vector<1x16xi32>
      tpu.vector_store %arg8[%swap3A_574, %swap3A_575], %swap3A_578 {strides = array<i32>} : memref<4x80xi32, #tpu.memory_space<vmem>>, vector<1x16xi32>,
      %add3A_579 = arith.constant 16 : i32
      %add3A_580 = arith.addi %add3A_557, %add3A_579 : i32
      %get3A_581 = arith.index_cast %add3A_580 : i32 to index
      %get3A_582 = tpu.vector_load %arg6[%get3A_581] {strides = array<i32>} : memref<4000xi32, #tpu.memory_space<vmem>>, vector<16xi32>,
      %get3A_583 = vector.shape_cast %get3A_582 : vector<16xi32> to vector<16xi32>
      %and3A_584 = arith.constant 65535 : i32
      %and3A_585 = vector.broadcast %and3A_584 : i32 to vector<16xi32>
      %and3A_586 = arith.andi %get3A_583, %and3A_585 : vector<16xi32>
      %swap3A_587 = arith.index_cast %rem3A_453 : i32 to index
      %swap3A_588 = arith.constant 16 : index
      %swap3A_589 = tpu.vector_load %arg7[%swap3A_587, %swap3A_588] {strides = array<i32>} : memref<4x80xi32, #tpu.memory_space<vmem>>, vector<1x16xi32>,
      %swap3A_590 = vector.shape_cast %swap3A_589 : vector<1x16xi32> to vector<16xi32>
      %swap3A_591 = vector.shape_cast %and3A_586 : vector<16xi32> to vector<1x16xi32>
      tpu.vector_store %arg7[%swap3A_587, %swap3A_588], %swap3A_591 {strides = array<i32>} : memref<4x80xi32, #tpu.memory_space<vmem>>, vector<1x16xi32>,
      %shift_right_logical3A_592 = arith.constant 16 : i32
      %shift_right_logical3A_593 = vector.broadcast %shift_right_logical3A_592 : i32 to vector<16xi32>
      %shift_right_logical3A_594 = arith.shrui %get3A_583, %shift_right_logical3A_593 : vector<16xi32>
      %swap3A_595 = arith.index_cast %rem3A_453 : i32 to index
      %swap3A_596 = arith.constant 16 : index
      %swap3A_597 = tpu.vector_load %arg8[%swap3A_595, %swap3A_596] {strides = array<i32>} : memref<4x80xi32, #tpu.memory_space<vmem>>, vector<1x16xi32>,
      %swap3A_598 = vector.shape_cast %swap3A_597 : vector<1x16xi32> to vector<16xi32>
      %swap3A_599 = vector.shape_cast %shift_right_logical3A_594 : vector<16xi32> to vector<1x16xi32>
      tpu.vector_store %arg8[%swap3A_595, %swap3A_596], %swap3A_599 {strides = array<i32>} : memref<4x80xi32, #tpu.memory_space<vmem>>, vector<1x16xi32>,
      %add3A_600 = arith.constant 32 : i32
      %add3A_601 = arith.addi %add3A_557, %add3A_600 : i32
      %get3A_602 = arith.index_cast %add3A_601 : i32 to index
      %get3A_603 = tpu.vector_load %arg6[%get3A_602] {strides = array<i32>} : memref<4000xi32, #tpu.memory_space<vmem>>, vector<16xi32>,
      %get3A_604 = vector.shape_cast %get3A_603 : vector<16xi32> to vector<16xi32>
      %and3A_605 = arith.constant 65535 : i32
      %and3A_606 = vector.broadcast %and3A_605 : i32 to vector<16xi32>
      %and3A_607 = arith.andi %get3A_604, %and3A_606 : vector<16xi32>
      %swap3A_608 = arith.index_cast %rem3A_453 : i32 to index
      %swap3A_609 = arith.constant 32 : index
      %swap3A_610 = tpu.vector_load %arg7[%swap3A_608, %swap3A_609] {strides = array<i32>} : memref<4x80xi32, #tpu.memory_space<vmem>>, vector<1x16xi32>,
      %swap3A_611 = vector.shape_cast %swap3A_610 : vector<1x16xi32> to vector<16xi32>
      %swap3A_612 = vector.shape_cast %and3A_607 : vector<16xi32> to vector<1x16xi32>
      tpu.vector_store %arg7[%swap3A_608, %swap3A_609], %swap3A_612 {strides = array<i32>} : memref<4x80xi32, #tpu.memory_space<vmem>>, vector<1x16xi32>,
      %shift_right_logical3A_613 = arith.constant 16 : i32
      %shift_right_logical3A_614 = vector.broadcast %shift_right_logical3A_613 : i32 to vector<16xi32>
      %shift_right_logical3A_615 = arith.shrui %get3A_604, %shift_right_logical3A_614 : vector<16xi32>
      %swap3A_616 = arith.index_cast %rem3A_453 : i32 to index
      %swap3A_617 = arith.constant 32 : index
      %swap3A_618 = tpu.vector_load %arg8[%swap3A_616, %swap3A_617] {strides = array<i32>} : memref<4x80xi32, #tpu.memory_space<vmem>>, vector<1x16xi32>,
      %swap3A_619 = vector.shape_cast %swap3A_618 : vector<1x16xi32> to vector<16xi32>
      %swap3A_620 = vector.shape_cast %shift_right_logical3A_615 : vector<16xi32> to vector<1x16xi32>
      tpu.vector_store %arg8[%swap3A_616, %swap3A_617], %swap3A_620 {strides = array<i32>} : memref<4x80xi32, #tpu.memory_space<vmem>>, vector<1x16xi32>,
      %add3A_621 = arith.constant 48 : i32
      %add3A_622 = arith.addi %add3A_557, %add3A_621 : i32
      %get3A_623 = arith.index_cast %add3A_622 : i32 to index
      %get3A_624 = tpu.vector_load %arg6[%get3A_623] {strides = array<i32>} : memref<4000xi32, #tpu.memory_space<vmem>>, vector<16xi32>,
      %get3A_625 = vector.shape_cast %get3A_624 : vector<16xi32> to vector<16xi32>
      %and3A_626 = arith.constant 65535 : i32
      %and3A_627 = vector.broadcast %and3A_626 : i32 to vector<16xi32>
      %and3A_628 = arith.andi %get3A_625, %and3A_627 : vector<16xi32>
      %swap3A_629 = arith.index_cast %rem3A_453 : i32 to index
      %swap3A_630 = arith.constant 48 : index
      %swap3A_631 = tpu.vector_load %arg7[%swap3A_629, %swap3A_630] {strides = array<i32>} : memref<4x80xi32, #tpu.memory_space<vmem>>, vector<1x16xi32>,
      %swap3A_632 = vector.shape_cast %swap3A_631 : vector<1x16xi32> to vector<16xi32>
      %swap3A_633 = vector.shape_cast %and3A_628 : vector<16xi32> to vector<1x16xi32>
      tpu.vector_store %arg7[%swap3A_629, %swap3A_630], %swap3A_633 {strides = array<i32>} : memref<4x80xi32, #tpu.memory_space<vmem>>, vector<1x16xi32>,
      %shift_right_logical3A_634 = arith.constant 16 : i32
      %shift_right_logical3A_635 = vector.broadcast %shift_right_logical3A_634 : i32 to vector<16xi32>
      %shift_right_logical3A_636 = arith.shrui %get3A_625, %shift_right_logical3A_635 : vector<16xi32>
      %swap3A_637 = arith.index_cast %rem3A_453 : i32 to index
      %swap3A_638 = arith.constant 48 : index
      %swap3A_639 = tpu.vector_load %arg8[%swap3A_637, %swap3A_638] {strides = array<i32>} : memref<4x80xi32, #tpu.memory_space<vmem>>, vector<1x16xi32>,
      %swap3A_640 = vector.shape_cast %swap3A_639 : vector<1x16xi32> to vector<16xi32>
      %swap3A_641 = vector.shape_cast %shift_right_logical3A_636 : vector<16xi32> to vector<1x16xi32>
      tpu.vector_store %arg8[%swap3A_637, %swap3A_638], %swap3A_641 {strides = array<i32>} : memref<4x80xi32, #tpu.memory_space<vmem>>, vector<1x16xi32>,
      %add3A_642 = arith.constant 64 : i32
      %add3A_643 = arith.addi %add3A_557, %add3A_642 : i32
      %get3A_644 = arith.index_cast %add3A_643 : i32 to index
      %get3A_645 = tpu.vector_load %arg6[%get3A_644] {strides = array<i32>} : memref<4000xi32, #tpu.memory_space<vmem>>, vector<16xi32>,
      %get3A_646 = vector.shape_cast %get3A_645 : vector<16xi32> to vector<16xi32>
      %and3A_647 = arith.constant 65535 : i32
      %and3A_648 = vector.broadcast %and3A_647 : i32 to vector<16xi32>
      %and3A_649 = arith.andi %get3A_646, %and3A_648 : vector<16xi32>
      %swap3A_650 = arith.index_cast %rem3A_453 : i32 to index
      %swap3A_651 = arith.constant 64 : index
      %swap3A_652 = tpu.vector_load %arg7[%swap3A_650, %swap3A_651] {strides = array<i32>} : memref<4x80xi32, #tpu.memory_space<vmem>>, vector<1x16xi32>,
      %swap3A_653 = vector.shape_cast %swap3A_652 : vector<1x16xi32> to vector<16xi32>
      %swap3A_654 = vector.shape_cast %and3A_649 : vector<16xi32> to vector<1x16xi32>
      tpu.vector_store %arg7[%swap3A_650, %swap3A_651], %swap3A_654 {strides = array<i32>} : memref<4x80xi32, #tpu.memory_space<vmem>>, vector<1x16xi32>,
      %shift_right_logical3A_655 = arith.constant 16 : i32
      %shift_right_logical3A_656 = vector.broadcast %shift_right_logical3A_655 : i32 to vector<16xi32>
      %shift_right_logical3A_657 = arith.shrui %get3A_646, %shift_right_logical3A_656 : vector<16xi32>
      %swap3A_658 = arith.index_cast %rem3A_453 : i32 to index
      %swap3A_659 = arith.constant 64 : index
      %swap3A_660 = tpu.vector_load %arg8[%swap3A_658, %swap3A_659] {strides = array<i32>} : memref<4x80xi32, #tpu.memory_space<vmem>>, vector<1x16xi32>,
      %swap3A_661 = vector.shape_cast %swap3A_660 : vector<1x16xi32> to vector<16xi32>
      %swap3A_662 = vector.shape_cast %shift_right_logical3A_657 : vector<16xi32> to vector<1x16xi32>
      tpu.vector_store %arg8[%swap3A_658, %swap3A_659], %swap3A_662 {strides = array<i32>} : memref<4x80xi32, #tpu.memory_space<vmem>>, vector<1x16xi32>,
      %mul3A_663 = arith.constant 80 : i32
      %mul3A_664 = arith.muli %rem3A_453, %mul3A_663 : i32
      %dma_start3A_665 = arith.constant 0 : i32
      %dma_start3A_666 = tpu.memref_slice %arg9[%mul3A_664, %dma_start3A_665] : memref<320x128xf32, #tpu.memory_space<vmem>> -> memref<80x128xf32, #tpu.memory_space<vmem>>
      %dma_start3A_667 = arith.constant 0 : i32
      %dma_start3A_668 = tpu.memref_slice %arg7[%rem3A_453, %dma_start3A_667] : memref<4x80xi32, #tpu.memory_space<vmem>> -> memref<1x80xi32, #tpu.memory_space<vmem>>
      %dma_start3A_669 = tpu.memref_squeeze %dma_start3A_668 : memref<1x80xi32, #tpu.memory_space<vmem>> -> memref<80xi32, #tpu.memory_space<vmem>>
      %dma_start3A_670 = arith.constant 0 : i32
      %dma_start3A_671 = arith.constant 0 : i32
      %dma_start3A_672 = tpu.memref_slice %arg2[%dma_start3A_670, %dma_start3A_671] : memref<20000x128xf32, #tpu.memory_space<hbm>> -> memref<20000x128xf32, #tpu.memory_space<hbm>>
      tpu.enqueue_indirect_dma source(%dma_start3A_672 : memref<20000x128xf32, #tpu.memory_space<hbm>>) target(%dma_start3A_666 : memref<80x128xf32, #tpu.memory_space<vmem>>) offsets(%dma_start3A_669 : memref<80xi32, #tpu.memory_space<vmem>>) semaphore(%arg10 : memref<!tpu.dma_semaphore, #tpu.memory_space<semaphore_mem>>)
      %eq3A_673 = arith.constant 24 : i32
      %eq3A_674 = arith.cmpi eq, %rem3A_457, %eq3A_673 : i32
      %lt3A_675 = arith.constant 3 : i32
      %lt3A_676 = arith.cmpi slt, %div3A_455, %lt3A_675 : i32
      %and3A_677 = arith.andi %eq3A_674, %lt3A_676 : i1
      %convert_element_type3A_678 = arith.extui %and3A_677 : i1 to i32
      %cond3A_679 = arith.constant 0 : i32
      %cond3A_680 = arith.cmpi ne, %convert_element_type3A_678, %cond3A_679 : i32
      scf.if %cond3A_680 {
        %add3A_681 = arith.constant 2 : i32
        %add3A_682 = arith.addi %div3A_455, %add3A_681 : i32
        %rem3A_683 = arith.constant 2 : i32
        %rem3A_684 = arith.remsi %div3A_455, %rem3A_683 : i32
        %mul3A_685 = arith.constant 2000 : i32
        %mul3A_686 = arith.muli %add3A_682, %mul3A_685 : i32
        %add3A_687 = arith.addi %mul3A_2, %mul3A_686 : i32
        %mul3A_688 = arith.constant 2000 : i32
        %mul3A_689 = arith.muli %rem3A_684, %mul3A_688 : i32
        %dma_start3A_690 = tpu.memref_slice %arg6[%mul3A_689] : memref<4000xi32, #tpu.memory_space<vmem>> -> memref<2000xi32, #tpu.memory_space<vmem>>
        %dma_start3A_691 = tpu.memref_slice %arg3[%add3A_687] : memref<320000xi32, #tpu.memory_space<hbm>> -> memref<2000xi32, #tpu.memory_space<hbm>>
        %dma_start3A_692 = tpu.memref_slice %arg6[%mul3A_689] : memref<4000xi32, #tpu.memory_space<vmem>> -> memref<2000xi32, #tpu.memory_space<vmem>>
        %dma_start3A_693 = tpu.memref_slice %arg3[%add3A_687] : memref<320000xi32, #tpu.memory_space<hbm>> -> memref<2000xi32, #tpu.memory_space<hbm>>
        tpu.enqueue_dma source(%dma_start3A_693 : memref<2000xi32, #tpu.memory_space<hbm>>) target(%dma_start3A_692 : memref<2000xi32, #tpu.memory_space<vmem>>) target_semaphore(%arg12 : memref<!tpu.dma_semaphore, #tpu.memory_space<semaphore_mem>>)
      } else {
      }
    } else {
    }
    %sub3A = arith.constant 3 : i32
    %sub3A_463 = arith.subi %scan3A_451, %sub3A : i32
    %rem3A_464 = arith.constant 4 : i32
    %rem3A_465 = arith.remsi %sub3A_463, %rem3A_464 : i32
    %mul3A_466 = arith.constant 80 : i32
    %mul3A_467 = arith.muli %rem3A_465, %mul3A_466 : i32
    %dma_wait3A_468 = arith.constant 0 : i32
    %dma_wait3A_469 = tpu.memref_slice %arg9[%mul3A_467, %dma_wait3A_468] : memref<320x128xf32, #tpu.memory_space<vmem>> -> memref<80x128xf32, #tpu.memory_space<vmem>>
    %dma_wait3A_470 = arith.constant 0 : i32
    %dma_wait3A_471 = tpu.memref_slice %arg7[%rem3A_465, %dma_wait3A_470] : memref<4x80xi32, #tpu.memory_space<vmem>> -> memref<1x80xi32, #tpu.memory_space<vmem>>
    %dma_wait3A_472 = tpu.memref_squeeze %dma_wait3A_471 : memref<1x80xi32, #tpu.memory_space<vmem>> -> memref<80xi32, #tpu.memory_space<vmem>>
    %dma_wait3A_473 = arith.constant 0 : i32
    %dma_wait3A_474 = arith.constant 0 : i32
    %dma_wait3A_475 = tpu.memref_slice %arg2[%dma_wait3A_473, %dma_wait3A_474] : memref<20000x128xf32, #tpu.memory_space<hbm>> -> memref<20000x128xf32, #tpu.memory_space<hbm>>
    tpu.wait_indirect_dma semaphore(%arg10 : memref<!tpu.dma_semaphore, #tpu.memory_space<semaphore_mem>>) src(%dma_wait3A_475 : memref<20000x128xf32, #tpu.memory_space<hbm>>) dst(%dma_wait3A_469 : memref<80x128xf32, #tpu.memory_space<vmem>>)
    %mul3A_476 = arith.constant 80 : i32
    %mul3A_477 = arith.muli %rem3A_465, %mul3A_476 : i32
    %dma_start3A_478 = arith.constant 0 : i32
    %dma_start3A_479 = tpu.memref_slice %arg9[%mul3A_477, %dma_start3A_478] : memref<320x128xf32, #tpu.memory_space<vmem>> -> memref<80x128xf32, #tpu.memory_space<vmem>>
    %dma_start3A_480 = arith.constant 0 : i32
    %dma_start3A_481 = tpu.memref_slice %arg8[%rem3A_465, %dma_start3A_480] : memref<4x80xi32, #tpu.memory_space<vmem>> -> memref<1x80xi32, #tpu.memory_space<vmem>>
    %dma_start3A_482 = tpu.memref_squeeze %dma_start3A_481 : memref<1x80xi32, #tpu.memory_space<vmem>> -> memref<80xi32, #tpu.memory_space<vmem>>
    %dma_start3A_483 = arith.constant 0 : i32
    %dma_start3A_484 = arith.constant 0 : i32
    %dma_start3A_485 = tpu.memref_slice %arg5[%dma_start3A_483, %dma_start3A_484] : memref<10000x128xf32, #tpu.memory_space<vmem_shared>> -> memref<10000x128xf32, #tpu.memory_space<vmem_shared>>
    tpu.enqueue_indirect_dma source(%dma_start3A_479 : memref<80x128xf32, #tpu.memory_space<vmem>>) target(%dma_start3A_485 : memref<10000x128xf32, #tpu.memory_space<vmem_shared>>) offsets(%dma_start3A_482 : memref<80xi32, #tpu.memory_space<vmem>>) semaphore(%arg11 : memref<!tpu.dma_semaphore, #tpu.memory_space<semaphore_mem>>) {add = true}
    %scan3A_486 = arith.constant 125 : i32
    %dma_wait3A_487 = arith.constant 1 : i32
    %dma_wait3A_488 = arith.constant 80 : i32
    %dma_wait3A_489 = arith.constant 0 : i32
    %dma_wait3A_490 = tpu.memref_slice %arg9[%dma_wait3A_488, %dma_wait3A_489] : memref<320x128xf32, #tpu.memory_space<vmem>> -> memref<80x128xf32, #tpu.memory_space<vmem>>
    %dma_wait3A_491 = arith.constant 0 : i32
    %dma_wait3A_492 = tpu.memref_slice %arg8[%dma_wait3A_487, %dma_wait3A_491] : memref<4x80xi32, #tpu.memory_space<vmem>> -> memref<1x80xi32, #tpu.memory_space<vmem>>
    %dma_wait3A_493 = tpu.memref_squeeze %dma_wait3A_492 : memref<1x80xi32, #tpu.memory_space<vmem>> -> memref<80xi32, #tpu.memory_space<vmem>>
    %dma_wait3A_494 = arith.constant 0 : i32
    %dma_wait3A_495 = arith.constant 0 : i32
    %dma_wait3A_496 = tpu.memref_slice %arg5[%dma_wait3A_494, %dma_wait3A_495] : memref<10000x128xf32, #tpu.memory_space<vmem_shared>> -> memref<10000x128xf32, #tpu.memory_space<vmem_shared>>
    tpu.wait_indirect_dma semaphore(%arg11 : memref<!tpu.dma_semaphore, #tpu.memory_space<semaphore_mem>>) src(%dma_wait3A_490 : memref<80x128xf32, #tpu.memory_space<vmem>>) dst(%dma_wait3A_496 : memref<10000x128xf32, #tpu.memory_space<vmem_shared>>)
    %dma_wait3A_497 = arith.constant 2 : i32
    %dma_wait3A_498 = arith.constant 160 : i32
    %dma_wait3A_499 = arith.constant 0 : i32
    %dma_wait3A_500 = tpu.memref_slice %arg9[%dma_wait3A_498, %dma_wait3A_499] : memref<320x128xf32, #tpu.memory_space<vmem>> -> memref<80x128xf32, #tpu.memory_space<vmem>>
    %dma_wait3A_501 = arith.constant 0 : i32
    %dma_wait3A_502 = tpu.memref_slice %arg8[%dma_wait3A_497, %dma_wait3A_501] : memref<4x80xi32, #tpu.memory_space<vmem>> -> memref<1x80xi32, #tpu.memory_space<vmem>>
    %dma_wait3A_503 = tpu.memref_squeeze %dma_wait3A_502 : memref<1x80xi32, #tpu.memory_space<vmem>> -> memref<80xi32, #tpu.memory_space<vmem>>
    %dma_wait3A_504 = arith.constant 0 : i32
    %dma_wait3A_505 = arith.constant 0 : i32
    %dma_wait3A_506 = tpu.memref_slice %arg5[%dma_wait3A_504, %dma_wait3A_505] : memref<10000x128xf32, #tpu.memory_space<vmem_shared>> -> memref<10000x128xf32, #tpu.memory_space<vmem_shared>>
    tpu.wait_indirect_dma semaphore(%arg11 : memref<!tpu.dma_semaphore, #tpu.memory_space<semaphore_mem>>) src(%dma_wait3A_500 : memref<80x128xf32, #tpu.memory_space<vmem>>) dst(%dma_wait3A_506 : memref<10000x128xf32, #tpu.memory_space<vmem_shared>>)
    %dma_wait3A_507 = arith.constant 3 : i32
    %dma_wait3A_508 = arith.constant 240 : i32
    %dma_wait3A_509 = arith.constant 0 : i32
    %dma_wait3A_510 = tpu.memref_slice %arg9[%dma_wait3A_508, %dma_wait3A_509] : memref<320x128xf32, #tpu.memory_space<vmem>> -> memref<80x128xf32, #tpu.memory_space<vmem>>
    %dma_wait3A_511 = arith.constant 0 : i32
    %dma_wait3A_512 = tpu.memref_slice %arg8[%dma_wait3A_507, %dma_wait3A_511] : memref<4x80xi32, #tpu.memory_space<vmem>> -> memref<1x80xi32, #tpu.memory_space<vmem>>
    %dma_wait3A_513 = tpu.memref_squeeze %dma_wait3A_512 : memref<1x80xi32, #tpu.memory_space<vmem>> -> memref<80xi32, #tpu.memory_space<vmem>>
    %dma_wait3A_514 = arith.constant 0 : i32
    %dma_wait3A_515 = arith.constant 0 : i32
    %dma_wait3A_516 = tpu.memref_slice %arg5[%dma_wait3A_514, %dma_wait3A_515] : memref<10000x128xf32, #tpu.memory_space<vmem_shared>> -> memref<10000x128xf32, #tpu.memory_space<vmem_shared>>
    tpu.wait_indirect_dma semaphore(%arg11 : memref<!tpu.dma_semaphore, #tpu.memory_space<semaphore_mem>>) src(%dma_wait3A_510 : memref<80x128xf32, #tpu.memory_space<vmem>>) dst(%dma_wait3A_516 : memref<10000x128xf32, #tpu.memory_space<vmem_shared>>)
    %dma_wait3A_517 = arith.constant 0 : i32
    %dma_wait3A_518 = arith.constant 0 : i32
    %dma_wait3A_519 = arith.constant 0 : i32
    %dma_wait3A_520 = tpu.memref_slice %arg9[%dma_wait3A_518, %dma_wait3A_519] : memref<320x128xf32, #tpu.memory_space<vmem>> -> memref<80x128xf32, #tpu.memory_space<vmem>>
    %dma_wait3A_521 = arith.constant 0 : i32
    %dma_wait3A_522 = tpu.memref_slice %arg8[%dma_wait3A_517, %dma_wait3A_521] : memref<4x80xi32, #tpu.memory_space<vmem>> -> memref<1x80xi32, #tpu.memory_space<vmem>>
    %dma_wait3A_523 = tpu.memref_squeeze %dma_wait3A_522 : memref<1x80xi32, #tpu.memory_space<vmem>> -> memref<80xi32, #tpu.memory_space<vmem>>
    %dma_wait3A_524 = arith.constant 0 : i32
    %dma_wait3A_525 = arith.constant 0 : i32
    %dma_wait3A_526 = tpu.memref_slice %arg5[%dma_wait3A_524, %dma_wait3A_525] : memref<10000x128xf32, #tpu.memory_space<vmem_shared>> -> memref<10000x128xf32, #tpu.memory_space<vmem_shared>>
    tpu.wait_indirect_dma semaphore(%arg11 : memref<!tpu.dma_semaphore, #tpu.memory_space<semaphore_mem>>) src(%dma_wait3A_520 : memref<80x128xf32, #tpu.memory_space<vmem>>) dst(%dma_wait3A_526 : memref<10000x128xf32, #tpu.memory_space<vmem_shared>>)
    %barrier3A_527 = arith.constant 0 : index
    tpu.barrier barrier_id(%barrier3A_527)
    %lt3A_528 = arith.constant 15 : i32
    %lt3A_529 = arith.cmpi slt, %arg1, %lt3A_528 : i32
    %convert_element_type3A_530 = arith.extui %lt3A_529 : i1 to i32
    %cond3A_531 = arith.constant 0 : i32
    %cond3A_532 = arith.cmpi ne, %convert_element_type3A_530, %cond3A_531 : i32
    scf.if %cond3A_532 {
      "tpu.region"() ({
        %run_scoped3A = tpu.sem_alloc : memref<!tpu.dma_semaphore, #tpu.memory_space<semaphore_mem>>
        %dma_start3A_538 = arith.constant 0 : i32
        %dma_start3A_539 = tpu.memref_slice %arg4[%arg0, %mul3A_24, %dma_start3A_538] : memref<2x10000x128xf32, #tpu.memory_space<hbm>> -> memref<1x640x128xf32, #tpu.memory_space<hbm>>
        %dma_start3A_540 = tpu.memref_squeeze %dma_start3A_539 : memref<1x640x128xf32, #tpu.memory_space<hbm>> -> memref<640x128xf32, #tpu.memory_space<hbm>>
        %dma_start3A_541 = arith.constant 0 : i32
        %dma_start3A_542 = tpu.memref_slice %arg5[%mul3A_24, %dma_start3A_541] : memref<10000x128xf32, #tpu.memory_space<vmem_shared>> -> memref<640x128xf32, #tpu.memory_space<vmem_shared>>
        tpu.enqueue_dma source(%dma_start3A_542 : memref<640x128xf32, #tpu.memory_space<vmem_shared>>) target(%dma_start3A_540 : memref<640x128xf32, #tpu.memory_space<hbm>>) target_semaphore(%run_scoped3A : memref<!tpu.dma_semaphore, #tpu.memory_space<semaphore_mem>>)
        %dma_wait3A_543 = arith.constant 0 : i32
        %dma_wait3A_544 = tpu.memref_slice %arg4[%arg0, %mul3A_24, %dma_wait3A_543] : memref<2x10000x128xf32, #tpu.memory_space<hbm>> -> memref<1x640x128xf32, #tpu.memory_space<hbm>>
        %dma_wait3A_545 = tpu.memref_squeeze %dma_wait3A_544 : memref<1x640x128xf32, #tpu.memory_space<hbm>> -> memref<640x128xf32, #tpu.memory_space<hbm>>
        %dma_wait3A_546 = arith.constant 0 : i32
        %dma_wait3A_547 = tpu.memref_slice %arg5[%mul3A_24, %dma_wait3A_546] : memref<10000x128xf32, #tpu.memory_space<vmem_shared>> -> memref<640x128xf32, #tpu.memory_space<vmem_shared>>
        tpu.wait_dma2 semaphore(%run_scoped3A : memref<!tpu.dma_semaphore, #tpu.memory_space<semaphore_mem>>) src(%dma_wait3A_547 : memref<640x128xf32, #tpu.memory_space<vmem_shared>>) dst(%dma_wait3A_545 : memref<640x128xf32, #tpu.memory_space<hbm>>)
        tpu.yield
      }) : () -> ()
    } else {
    }
    %eq3A_533 = arith.constant 15 : i32
    %eq3A_534 = arith.cmpi eq, %arg1, %eq3A_533 : i32
    %convert_element_type3A_535 = arith.extui %eq3A_534 : i1 to i32
    %cond3A_536 = arith.constant 0 : i32
    %cond3A_537 = arith.cmpi ne, %convert_element_type3A_535, %cond3A_536 : i32
    scf.if %cond3A_537 {
      "tpu.region"() ({
        %run_scoped3A = tpu.sem_alloc : memref<!tpu.dma_semaphore, #tpu.memory_space<semaphore_mem>>
        %dma_start3A_538 = arith.constant 0 : i32
        %dma_start3A_539 = tpu.memref_slice %arg4[%arg0, %mul3A_24, %dma_start3A_538] : memref<2x10000x128xf32, #tpu.memory_space<hbm>> -> memref<1x400x128xf32, #tpu.memory_space<hbm>>
        %dma_start3A_540 = tpu.memref_squeeze %dma_start3A_539 : memref<1x400x128xf32, #tpu.memory_space<hbm>> -> memref<400x128xf32, #tpu.memory_space<hbm>>
        %dma_start3A_541 = arith.constant 0 : i32
        %dma_start3A_542 = tpu.memref_slice %arg5[%mul3A_24, %dma_start3A_541] : memref<10000x128xf32, #tpu.memory_space<vmem_shared>> -> memref<400x128xf32, #tpu.memory_space<vmem_shared>>
        tpu.enqueue_dma source(%dma_start3A_542 : memref<400x128xf32, #tpu.memory_space<vmem_shared>>) target(%dma_start3A_540 : memref<400x128xf32, #tpu.memory_space<hbm>>) target_semaphore(%run_scoped3A : memref<!tpu.dma_semaphore, #tpu.memory_space<semaphore_mem>>)
        %dma_wait3A_543 = arith.constant 0 : i32
        %dma_wait3A_544 = tpu.memref_slice %arg4[%arg0, %mul3A_24, %dma_wait3A_543] : memref<2x10000x128xf32, #tpu.memory_space<hbm>> -> memref<1x400x128xf32, #tpu.memory_space<hbm>>
        %dma_wait3A_545 = tpu.memref_squeeze %dma_wait3A_544 : memref<1x400x128xf32, #tpu.memory_space<hbm>> -> memref<400x128xf32, #tpu.memory_space<hbm>>
        %dma_wait3A_546 = arith.constant 0 : i32
        %dma_wait3A_547 = tpu.memref_slice %arg5[%mul3A_24, %dma_wait3A_546] : memref<10000x128xf32, #tpu.memory_space<vmem_shared>> -> memref<400x128xf32, #tpu.memory_space<vmem_shared>>
        tpu.wait_dma2 semaphore(%run_scoped3A : memref<!tpu.dma_semaphore, #tpu.memory_space<semaphore_mem>>) src(%dma_wait3A_547 : memref<400x128xf32, #tpu.memory_space<vmem_shared>>) dst(%dma_wait3A_545 : memref<400x128xf32, #tpu.memory_space<hbm>>)
        tpu.yield
      }) : () -> ()
    } else {
    }
    return
  }
}

</mosaic_0001>

<sc_bundles>
// kernel: _sc_edge.3.cloned.1.call-start
scs
__scs_entry_jumppad:
0x0: {  	(pc) =	sbr.rel $0x88, $3  }
0x1: {  	(tag) =	ssettag $0x0;
	lr =	simm.s32 $0x1  }
0x2: {  	[smem:$0x3F9F] =	sst lr;
	_ =	strace $0xD0000000  }
0x3: {  	_ = 	snop  }
0x4: {  	_ = 	snop  }
0x5: {  	_ = 	snop  }
0x6: {  	_ = 	snop  }
0x7: {  	_ = 	snop  }
__scs_overlays_trampoline_lowered:
0x8: {  	[smem:$0x3FAE] =	sst s0  }
0x9: {  	[smem:$0x3FAF] =	sst s1  }
0xa: {  	[smem:$0x3FB0] =	sst s2  }
0xb: {  	[smem:$0x3FB1] =	sst s3  }
0xc: {  	[smem:$0x3FB2] =	sst s4  }
0xd: {  	[smem:$0x3FB3] =	sst s5  }
0xe: {  	[smem:$0x3FB4] =	sst s6  }
0xf: {  	[smem:$0x3FB5] =	sst s7  }
0x10: {  	[smem:$0x3FB6] =	sst s8  }
0x11: {  	[smem:$0x3FB7] =	sst s9;
	s0 =	simm.s32 @!p0 $0x0  }
0x12: {  	s1 =	sld [smem:$0x3F9D];
	s0 =	simm.s32 @p0 $0x1  }
0x13: {  	[smem:$0x3FB8] =	sst s0;
	s0 =	simm.s32 @!p1 $0x0  }
0x14: {  	s2 =	sld [smem:$0x3F9C];
	s0 =	simm.s32 @p1 $0x1  }
0x15: {  	[smem:$0x3FB9] =	sst s0;
	s0 =	simm.s32 @!p2 $0x0  }
0x16: {  	s3 =	sld [smem:$0x3FDB];
	s0 =	simm.s32 @p2 $0x1  }
0x17: {  	s4 =	simm.s32 $0x1BF5;
	[smem:$0x3FBB] =	sst s0  }
0x18: {  	s0 =	sld [smem:$0x3F9E];
	_ =	swait.ge [sflag:s4], $0x0  }
0x19: {  	s7 =	sld [smem:$0x3F9F]  }
0x1a: {  	s8 =	sadd.s32 $0xFFFFE003, lr  }
0x1b: {  	s9 =	sadd.s32 $0xFFFFFEF7, lr;
	s5 =	simm.s32 $0xFFFFFFFF;
	p2 =	slt.u32 s8, $0xFFFFF086  }
0x1c: {  	p1 =	slt.u32 s9, $0xF7A;
	s5 =	simm.s32 @!p2 $0x0  }
0x1d: {  	s5 =	simm.s32 @p1 $0x1;
	p0 =	seq.s32 s7, s2  }
0x1e: {  	s7 =	smul.u32 @!p0 $0xF7A, s2;
	p2 =	seq.s32 @!p0 s5, $0x0  }
0x1f: {  	s9 =	smul.u32 $0xF7A, s1;
	s8 =	simm.s32 @!p0 $0x1BF5;
	p2 =	por !p2, p0  }
0x20: {  	[sflag:s8] =	ssyncset.s32 @!p0 $0xFFFFF086;
	s6 =	sadd.s32 @!p0 s3, s7;
	s7 =	simm.s32 @!p0 $0x108  }
0x21: {  	s3 =	sadd.s32 s3, s9;
	s6 =	sadd.s32 @!p0 $0x88, s6;
	s7 =	simm.s32 @p2 $0x1082  }
0x22: {  	[simem:s7], [sflag:s8] =	dma.local @!p0 [hbm:s6], $0xF7A  }
0x23: {  	s9 =	sor.u32 $0xD0000000, s2;
	s6 =	simm.s32 $0x108;
	_ =	swait.ge @!p0 [sflag:s8], $0x0  }
0x24: {  	s3 =	sadd.s32 $0x88, s3;
	s6 =	simm.s32 @!p1 $0x1082;
	[sflag:s4] =	ssyncset.s32 $0xFFFFF086  }
0x25: {  	[simem:s6], [sflag:s4] =	dma.local [hbm:s3], $0xF7A  }
0x26: {  	[smem:$0x3F9F] =	sst s1;
	(tag) =	ssettag s2;
	_ =	strace s9  }
0x27: {  	s1 =	sld [smem:$0x3FAF]  }
0x28: {  	s2 =	sld [smem:$0x3FB0]  }
0x29: {  	s4 =	sld [smem:$0x3FB2]  }
0x2a: {  	p0 =	seq.s32 s5, $0x0;
	s5 =	sld [smem:$0x3FB3]  }
0x2b: {  	s6 =	sld [smem:$0x3FB4]  }
0x2c: {  	s7 =	sld [smem:$0x3FB5]  }
0x2d: {  	s3 =	simm.s32 $0x108;
	s8 =	sld [smem:$0x3FB6]  }
0x2e: {  	s3 =	simm.s32 @!p0 $0x1082;
	s9 =	sld [smem:$0x3FB7]  }
0x2f: {  	lr =	sadd.s32 s0, s3;
	s0 =	sld [smem:$0x3FAE]  }
0x30: {  	s3 =	sld [smem:$0x3FB1]  }
0x31: {  	[smem:$0x3FBA] =	sst s10  }
0x32: {  	s10 =	sld [smem:$0x3FB8];
	_ =	sdelay $0x3  }
0x33: {  	p0 =	seq.s32 s10, $0x1;
	s10 =	sld [smem:$0x3FBA];
	_ =	sdelay $0x3  }
0x34: {  	[smem:$0x3FBA] =	sst s10  }
0x35: {  	s10 =	sld [smem:$0x3FB9];
	_ =	sdelay $0x3  }
0x36: {  	p1 =	seq.s32 s10, $0x1;
	s10 =	sld [smem:$0x3FBA];
	_ =	sdelay $0x3  }
0x37: {  	[smem:$0x3FBA] =	sst s10  }
0x38: {  	s10 =	sld [smem:$0x3FBB]  }
0x39: {  	_ = 	snop;
	(pc) =	sbr.ind lr, $3  }
0x3a: {  	_ = 	snop  }
0x3b: {  	_ = 	snop  }
0x3c: {  	p2 =	seq.s32 s10, $0x1;
	s10 =	sld [smem:$0x3FBA]  }
0x3d: {  	_ =	shalt  }
0x3e: {  	_ =	shalt  }
0x3f: {  	_ =	shalt  }
0x40: {  	_ =	shalt  }
0x41: {  	_ =	shalt  }
0x42: {  	_ =	shalt  }
0x43: {  	_ =	shalt  }
0x44: {  	_ =	shalt  }
0x45: {  	_ =	shalt  }
0x46: {  	_ =	shalt  }
0x47: {  	_ =	shalt  }
0x48: {  	_ =	shalt  }
0x49: {  	_ =	shalt  }
0x4a: {  	_ =	shalt  }
0x4b: {  	_ =	shalt  }
0x4c: {  	_ =	shalt  }
0x4d: {  	_ =	shalt  }
0x4e: {  	_ =	shalt  }
0x4f: {  	_ =	shalt  }
0x50: {  	_ =	shalt  }
0x51: {  	_ =	shalt  }
0x52: {  	_ =	shalt  }
0x53: {  	_ =	shalt  }
0x54: {  	_ =	shalt  }
0x55: {  	_ =	shalt  }
0x56: {  	_ =	shalt  }
0x57: {  	_ =	shalt  }
0x58: {  	_ =	shalt  }
0x59: {  	_ =	shalt  }
0x5a: {  	_ =	shalt  }
0x5b: {  	_ =	shalt  }
0x5c: {  	_ =	shalt  }
0x5d: {  	_ =	shalt  }
0x5e: {  	_ =	shalt  }
0x5f: {  	_ =	shalt  }
0x60: {  	_ =	shalt  }
0x61: {  	_ =	shalt  }
0x62: {  	_ =	shalt  }
0x63: {  	_ =	shalt  }
0x64: {  	_ =	shalt  }
0x65: {  	_ =	shalt  }
0x66: {  	_ =	shalt  }
0x67: {  	_ =	shalt  }
0x68: {  	_ =	shalt  }
0x69: {  	_ =	shalt  }
0x6a: {  	_ =	shalt  }
0x6b: {  	_ =	shalt  }
0x6c: {  	_ =	shalt  }
0x6d: {  	_ =	shalt  }
0x6e: {  	_ =	shalt  }
0x6f: {  	_ =	shalt  }
0x70: {  	_ =	shalt  }
0x71: {  	_ =	shalt  }
0x72: {  	_ =	shalt  }
0x73: {  	_ =	shalt  }
0x74: {  	_ =	shalt  }
0x75: {  	_ =	shalt  }
0x76: {  	_ =	shalt  }
0x77: {  	_ =	shalt  }
0x78: {  	_ =	shalt  }
0x79: {  	_ =	shalt  }
0x7a: {  	_ =	shalt  }
0x7b: {  	_ =	shalt  }
0x7c: {  	_ =	shalt  }
0x7d: {  	_ =	shalt  }
0x7e: {  	_ =	shalt  }
0x7f: {  	_ =	shalt  }
0x80: {  	_ =	shalt  }
0x81: {  	_ =	shalt  }
0x82: {  	_ =	shalt  }
0x83: {  	_ =	shalt  }
0x84: {  	_ =	shalt  }
0x85: {  	_ =	shalt  }
0x86: {  	_ =	shalt  }
0x87: {  	_ =	shalt  }
.Lfunc_end0:
.L_simem_size_0:
called_computation_lowered:
.L_overlay_start_0:
0x88: {  	s2 =	sld [smem:$0x3FD9]  }
0x89: {  	s3 =	sld [smem:$0x3FFE];
	_ =	sdelay $0x1  }
0x8a: {  	s1 =	srdreg.scid  }
0x8b: {  	s0 =	sand.u32 $0x1, s1  }
0x8c: {  	s18 =	sshll.u32 s0, $0xA;
	s2 =	sadd.s32 s3, s2  }
0x8d: {  	s2 =	sadd.s32 s2, s18  }
0x8e: {  	[smem:$0x3FC6] =	sst s2  }
0x8f: {  	_ = 	snop  }
0x90: {  	s2 =	sld [smem:$0x3FC9]  }
0x91: {  	s19 =	sld [smem:$0x3FC8]  }
0x92: {  	s4 =	sld [smem:$0x3FD0];
	(tm) =	ssettm $0x1  }
0x93: {  	s5 =	sld [smem:$0x3FFB];
	_ =	sdelay $0x3  }
0x94: {  	_ =	strace s5  }
0x95: {  	s5 =	sld [smem:$0x3FFC];
	_ =	sdelay $0x3  }
0x96: {  	_ =	strace s5  }
0x97: {  	s5 =	sld [smem:$0x3FFD];
	_ =	sdelay $0x3  }
0x98: {  	_ =	strace s5  }
0x99: {  	_ =	strace $0x8FFFFFFF  }
0x9a: {  	s20 =	sld [smem:$0x3FDB];
	_ =	sdelay $0x1  }
0x9b: {  	s6 =	simm.s32 $_scs_section_size  }
0x9c: {  	s7 =	simm.s32 $_size__tile_overlayer_lowered;
	s8 =	simm.s32 $_tile_overlayer_lowered  }
0x9d: {  	s23 =	simm.s32 $0x1BFF;
	s22 =	sshll.u32 s8, $0x1;
	s5 =	sadd.s32 s6, s20  }
0x9e: {  	s9 =	simm.s32 $0x0;
	s21 =	sshll.u32 s7, $0x1;
	s7 =	sadd.s32 s22, s5  }
0x9f: {  	[timem:s9], [sflag:s23] =	dma.local [hbm:s7], s21  }
0xa0: {  	_ =	swait.ge [sflag:s23], s21  }
0xa1: {  	s6 =	ssub.s32 $0x0, s21;
	[sflag:s23] =	ssyncset.done $0x0  }
0xa2: {  	[sflag:s23] =	ssyncadd.s32 s6;
	_ =	sdelay $0x1  }
0xa3: {  	s24 =	simm.s32 $0x1B8B  }
0xa4: {  	_ =	swait.ge [sflag:s24], $0x1  }
0xa5: {  	[sflag:s24] =	ssyncset.done $0x0  }
0xa6: {  	s25 =	simm.s32 $0x1B8E;
	[sflag:s24] =	ssyncadd.s32 $0xFFFFFFFF  }
0xa7: {  	s26 =	simm.s32 $execute0_lowered;
	[smem:$0x3FD2] =	sst s25  }
0xa8: {  	s6 =	sshll.u32 s26, $0x1;
	_ =	strace $0x80000046;
	[dreg:$0x1] =	wrdreg $0xFFFFFFFF  }
0xa9: {  	s28 =	simm.s32 $_size_execute0_lowered;
	s5 =	sadd.s32 s5, s6;
	[dreg:$0x0] =	wrdreg $0x0  }
0xaa: {  	s6 =	sshll.u32 s28, $0x1;
	[dreg:$0x2] =	wrdreg s5  }
0xab: {  	[dreg:$0x3] =	wrdreg s6  }
0xac: {  	[dreg:$0x4] =	wrdreg $0xC0  }
0xad: {  	_ =	task [dreg:s9], $0x5FFFF  }
0xae: {  	[dreg:$0x1] =	wrdreg $0xFFFFFFFF  }
0xaf: {  	[dreg:$0x0] =	wrdreg $0x60  }
0xb0: {  	[dreg:$0x2] =	wrdreg s2  }
0xb1: {  	[dreg:$0x3] =	wrdreg s19  }
0xb2: {  	[dreg:$0x4] =	wrdreg s4  }
0xb3: {  	[dreg:$0x5] =	wrdreg $0x0  }
0xb4: {  	[dreg:$0x6] =	wrdreg $0x9  }
0xb5: {  	_ =	task.clear_ibuf [dreg:s9], $0x7FFFF;
	_ =	strace $0x90000046  }
0xb6: {  	s29 =	simm.s32 $0x9;
	_ =	strace $0x80000048  }
0xb7: {  	_ =	swait.ge [sflag:s29], $0x1  }
0xb8: {  	[sflag:s29] =	ssyncadd.s32 $0xFFFFFFFF  }
0xb9: {  	_ =	strace $0x90000048  }
0xba: {  	_ =	sfence  }
0xbb: {  	s30 =	sld [smem:$0x0];
	_ =	sdelay $0x2  }
0xbc: {  	s31 =	sshll.u32 s1, $0xD;
	s1 =	sshrl.u32 s1, $0x2  }
0xbd: {  	s3 =	sand.u32 $0x4000, s31;
	s1 =	sadd.s32 s1, s30  }
0xbe: {  	s0 =	sor.u32 s3, s0;
	s1 =	sshll.u32 s1, $0x11  }
0xbf: {  	s0 =	sor.u32 s1, s0  }
0xc0: {  	s0 =	sadd.s32 $0x8F2B, s0  }
0xc1: {  	[sflag:s0] =	ssyncadd.remote.s32 $0x1  }
0xc2: {  	_ =	sfence.sel $0xFFFF  }
0xc3: {  	[dreg:$0x0] =	wrdreg $0xFFFFFFFF;
	(pc) =	sbr.abs _section_cstart, $3  }
0xc4: {  	[dreg:$0x1] =	wrdreg $0xFFFFFFFF  }
0xc5: {  	_ =	task.clear_ibuf [dreg:s9], $0x2FFFF;
	_ =	strace $0x9FFFFFFF  }
0xc6: {  	(tm) =	ssettm $0x7FFFFFFF  }
0xc7: {  	_ =	shalt  }
tec
execute0_lowered:
.L_overlay_start_1:
0x0: {  	(tag) =	ssettag $0x1  }
0x1: {  	s0 =	rddreg [dreg:$0x0]  }
0x2: {  	s2 =	rddreg [dreg:$0x1]  }
0x3: {  	s16 =	rddreg [dreg:$0x2]  }
0x4: {  	s1 =	srdreg.scid;
	s4 =	rddreg [dreg:$0x3];
	s21 =	simm.s32 $0x50  }
0x5: {  	s23 =	simm.s32 $0x14C80;
	s3 =	sand.u32 $0x1, s1;
	s1 =	stileid.u32  }
0x6: {  	s29 =	simm.s32 $0x1;
	s31 =	simm.s32 $0x2;
	s7 =	smul.u32 $0x50000, s1  }
0x7: {  	s5 =	sshll.u32 s3, $0x4;
	s28 =	ssub.s32 $0x2, s3;
	s3 =	smul.u32 $0x138800, s3  }
0x8: {  	s12 =	sadd.s32 $0x12C000, s4;
	s13 =	sadd.s32 $0x131000, s4;
	s14 =	smul.u32 $0x14000, s1  }
0x9: {  	p0 =	seq.s32 s1, $0xF;
	s6 =	sor.u32 s1, s5;
	s5 =	simm.s32 $0x0  }
0xa: {  	s8 =	sshrl.u32 s28, $0x1;
	s15 =	smul.u32 $0x2710, s6;
	[smem:$0x7FF] =	sst s5  }
0xb: {  	s18 =	ssub.s32 s28, s8;
	s7 =	sshrl.u32 s7, $0x2;
	s17 =	sadd.s32 s14, s3  }
0xc: {  	s3 =	sshrl.u32 s3, $0x3;
	s14 =	sadd.s32 $0x136000, s4;
	_ =	strace $0x80000047  }
.Ltmp0:
0xd: {  	s7 =	sadd.s32 s7, s4;
	s17 =	sshrl.u32 s17, $0x3;
	(pc) =	sbr.rel .LBB2_1-.Ltmp0, $4  }
0xe: {  	s3 =	sadd.s32 s16, s3;
	s18 =	smax.u32 s18, $0x1;
	s30 =	sshrl.u32 s15, $0x3  }
0xf: {  	s9 =	sadd.s32 $0x5000, s7;
	s10 =	sadd.s32 $0xA000, s7;
	s11 =	sadd.s32 $0xF000, s7  }
0x10: {  	s15 =	sadd.s32 $0xFA0, s15;
	s16 =	sadd.s32 s16, s17;
	s6 =	sadd.s32 s2, s30  }
0x11: {  	v0 =	vimm.f32 $0.0e+00;
	s17 =	sadd.s32 $0x25800, s3;
	s3 =	simm.s32 $0x0;
	s8 =	sadd.s32 $0xFA, s6  }
.LBB2_7:
0x12: {  	_ =	swait.ge [sflag:s29], $0x2800  }
0x13: {  	[sflag:s29] =	ssyncset.done $0x0  }
0x14: {  	s19 =	simm.s32 $0x14A80;
	[sflag:s29] =	ssyncadd.s32 $0xFFFFD800  }
0x15: {  	[spmem:s4] =	stream.indirect.scatter.add.f32 [tilespmem:s23], [sflag:$0x2], $0x80, s19, s21, $0xb8;
	[tilespmem:$0x1EC80] =	vst v63  }
0x16: {  	_ =	swait.ge [sflag:s31], $0x2800  }
0x17: {  	[sflag:s31] =	ssyncset.done $0x0  }
0x18: {  	[sflag:s31] =	ssyncadd.s32 $0xFFFFD800  }
0x19: {  	_ =	swait.ge [sflag:s31], $0x2800  }
0x1a: {  	[sflag:s31] =	ssyncset.done $0x0  }
0x1b: {  	[sflag:s31] =	ssyncadd.s32 $0xFFFFD800  }
0x1c: {  	_ =	swait.ge [sflag:s31], $0x2800  }
0x1d: {  	[sflag:s31] =	ssyncset.done $0x0  }
0x1e: {  	[sflag:s31] =	ssyncadd.s32 $0xFFFFD800  }
0x1f: {  	_ =	swait.ge [sflag:s31], $0x2800  }
0x20: {  	[sflag:s31] =	ssyncset.done $0x0  }
0x21: {  	[sflag:s31] =	ssyncadd.s32 $0xFFFFD800  }
0x22: {  	s20 =	simm.s32 @p0 $0x1FC5;
	s19 =	sshrl.u32 @p0 s12, $0x3;
	[bflag:$0x0] =	sbarrier.arrive $0xFFFF  }
0x23: {  	[hbm:s17], [sflag:s20] =	dma.local @p0 [spmem:s19], $0x1900  }
0x24: {  	s19 =	simm.s32 @p0 $0x5  }
0x25: {  	s3 =	sadd.s32 $0x1, s3;
	_ =	swait.ge @p0 [sflag:s19], $0x1900  }
0x26: {  	p1 =	sne.s32 s3, s18;
	s20 =	sshll.u32 @!p0 s1, $0x6;
	[sflag:s19] =	ssyncset.done @p0 $0x0  }
0x27: {  	[sflag:s19] =	ssyncadd.s32 @p0 $0xFFFFE700;
	s19 =	sor.u32 @!p0 $0x1C05, s20;
	s20 =	sshrl.u32 @!p0 s7, $0x3  }
0x28: {  	[hbm:s16], [sflag:s19] =	dma.local @!p0 [spmem:s20], $0x2800  }
.Ltmp1:
0x29: {  	_ = 	snop;
	(pc) =	sbr.rel @!p1 .LBB2_8-.Ltmp1, $4  }
0x2a: {  	s19 =	simm.s32 @!p0 $0x5  }
0x2b: {  	_ =	swait.ge @!p0 [sflag:s19], $0x2800  }
0x2c: {  	[sflag:s19] =	ssyncset.done @!p0 $0x0  }
0x2d: {  	[sflag:s19] =	ssyncadd.s32 @!p0 $0xFFFFD800  }
.LBB2_1:
0x2e: {  	s19 =	simm.s32 $0x13880  }
0x2f: {  	[tilespmem:s19], [sflag:$0x3] =	stream.linear.gather [hbm4b:s6+s5], $0x7D0, $0x38;
	[tilespmem:$0x1EC80] =	vst v63  }
0x30: {  	s30 =	simm.s32 $0x14050;
	s20 =	simm.s32 $0x200;
	s19 =	simm.s32 $0x0  }
0x31: {  	[tilespmem:s30], [sflag:$0x3] =	stream.linear.gather [hbm4b:s8+s5], $0x7D0, $0x38;
	[tilespmem:$0x1EC80] =	vst v63  }
.LBB2_2:
0x32: {  	p1 =	sne.s32 s20, $0x13E00;
	[tilespmem:s19+$0x14CF0] =	vst v0  }
0x33: {  	[tilespmem:s19+$0x14C80] =	vst v0  }
0x34: {  	[tilespmem:s19+$0x14C90] =	vst v0  }
.Ltmp2:
0x35: {  	[tilespmem:s19+$0x14CA0] =	vst v0;
	(pc) =	sbr.rel @p1 .LBB2_2-.Ltmp2, $4  }
0x36: {  	[tilespmem:s19+$0x14CB0] =	vst v0  }
0x37: {  	[tilespmem:s19+$0x14CC0] =	vst v0  }
0x38: {  	[tilespmem:s19+$0x14CD0] =	vst v0  }
0x39: {  	[tilespmem:s19+$0x14CE0] =	vst v0;
	s19 =	sshra.s32 s20, $0x2;
	s20 =	sadd.s32 $0x200, s20  }
0x3a: {  	[tilespmem:s19+$0x14CF0] =	vst v0  }
0x3b: {  	[tilespmem:s19+$0x14C80] =	vst v0  }
0x3c: {  	[tilespmem:s19+$0x14C90] =	vst v0  }
0x3d: {  	[tilespmem:s19+$0x14CA0] =	vst v0  }
0x3e: {  	[tilespmem:s19+$0x14CB0] =	vst v0  }
0x3f: {  	[tilespmem:s19+$0x14CC0] =	vst v0  }
0x40: {  	[tilespmem:s19+$0x14CD0] =	vst v0  }
0x41: {  	[tilespmem:s19+$0x14CE0] =	vst v0;
	s19 =	simm.s32 @p0 $0x14C80  }
0x42: {  	[spmem:s12] =	stream.linear.scatter @p0 [tilespmem:s19], [sflag:$0x4], $0x5000, $0x38;
	[tilespmem:$0x1EC80] =	vst v63  }
0x43: {  	_ = 	snop  }
0x44: {  	[spmem:s13] =	stream.linear.scatter @p0 [tilespmem:s19], [sflag:$0x4], $0x5000, $0x38;
	[tilespmem:$0x1EC80] =	vst v63  }
0x45: {  	_ = 	snop  }
0x46: {  	[spmem:s14] =	stream.linear.scatter @p0 [tilespmem:s19], [sflag:$0x4], $0x2800, $0x38;
	[tilespmem:$0x1EC80] =	vst v63  }
0x47: {  	s19 =	simm.s32 @p0 $0x4  }
0x48: {  	_ =	swait.ge @p0 [sflag:s19], $0x5000  }
0x49: {  	[sflag:s19] =	ssyncset.done @p0 $0x0  }
0x4a: {  	[sflag:s19] =	ssyncadd.s32 @p0 $0xFFFFB000  }
0x4b: {  	_ =	swait.ge @p0 [sflag:s19], $0x5000  }
0x4c: {  	[sflag:s19] =	ssyncset.done @p0 $0x0  }
0x4d: {  	[sflag:s19] =	ssyncadd.s32 @p0 $0xFFFFB000  }
0x4e: {  	_ =	swait.ge @p0 [sflag:s19], $0x2800  }
0x4f: {  	[sflag:s19] =	ssyncset.done @p0 $0x0  }
0x50: {  	[sflag:s19] =	ssyncadd.s32 @p0 $0xFFFFD800;
	s19 =	simm.s32 @!p0 $0x14C80  }
0x51: {  	[spmem:s7] =	stream.linear.scatter @!p0 [tilespmem:s19], [sflag:$0x4], $0x5000, $0x38;
	[tilespmem:$0x1EC80] =	vst v63  }
0x52: {  	_ = 	snop  }
0x53: {  	[spmem:s9] =	stream.linear.scatter @!p0 [tilespmem:s19], [sflag:$0x4], $0x5000, $0x38;
	[tilespmem:$0x1EC80] =	vst v63  }
0x54: {  	_ = 	snop  }
0x55: {  	[spmem:s10] =	stream.linear.scatter @!p0 [tilespmem:s19], [sflag:$0x4], $0x5000, $0x38;
	[tilespmem:$0x1EC80] =	vst v63  }
0x56: {  	_ = 	snop  }
0x57: {  	[spmem:s11] =	stream.linear.scatter @!p0 [tilespmem:s19], [sflag:$0x4], $0x5000, $0x38;
	[tilespmem:$0x1EC80] =	vst v63  }
0x58: {  	s19 =	simm.s32 @!p0 $0x4  }
0x59: {  	_ =	swait.ge @!p0 [sflag:s19], $0x5000  }
0x5a: {  	[sflag:s19] =	ssyncset.done @!p0 $0x0  }
0x5b: {  	[sflag:s19] =	ssyncadd.s32 @!p0 $0xFFFFB000  }
0x5c: {  	_ =	swait.ge @!p0 [sflag:s19], $0x5000  }
0x5d: {  	[sflag:s19] =	ssyncset.done @!p0 $0x0  }
0x5e: {  	[sflag:s19] =	ssyncadd.s32 @!p0 $0xFFFFB000  }
0x5f: {  	_ =	swait.ge @!p0 [sflag:s19], $0x5000  }
0x60: {  	[sflag:s19] =	ssyncset.done @!p0 $0x0  }
0x61: {  	[sflag:s19] =	ssyncadd.s32 @!p0 $0xFFFFB000  }
0x62: {  	_ =	swait.ge @!p0 [sflag:s19], $0x5000  }
0x63: {  	[sflag:s19] =	ssyncset.done @!p0 $0x0  }
0x64: {  	[sflag:s19] =	ssyncadd.s32 @!p0 $0xFFFFB000;
	s19 =	simm.s32 $0x3  }
0x65: {  	_ =	swait.ge [sflag:s19], $0x7D0  }
0x66: {  	[sflag:s19] =	ssyncset.done $0x0  }
0x67: {  	[sflag:s19] =	ssyncadd.s32 $0xFFFFF830  }
0x68: {  	v1 =	vld [tilespmem:$0x13880];
	_ =	sdelay $0x1  }
0x69: {  	v2 =	vld [tilespmem:$0x13890];
	_ =	sdelay $0x1  }
0x6a: {  	v3 =	vld [tilespmem:$0x138A0]  }
0x6b: {  	v4 =	vand.u32 $0xFFFF, v1  }
0x6c: {  	v59 =	vld [tilespmem:$0x138B0];
	v1 =	vshrl.u32 v1, $0x10;
	[tilespmem:$0x14880] =	vst v4  }
0x6d: {  	[tilespmem:$0x14A80] =	vst v1;
	v1 =	vand.u32 $0xFFFF, v2  }
0x6e: {  	[tilespmem:$0x14890] =	vst v1;
	v1 =	vshrl.u32 v2, $0x10;
	v2 =	vld [tilespmem:$0x138C0]  }
0x6f: {  	[tilespmem:$0x14A90] =	vst v1;
	v1 =	vand.u32 $0xFFFF, v3  }
0x70: {  	[tilespmem:$0x148A0] =	vst v1;
	v1 =	vshrl.u32 v3, $0x10  }
0x71: {  	[tilespmem:$0x14AA0] =	vst v1;
	v1 =	vand.u32 $0xFFFF, v59  }
0x72: {  	[tilespmem:$0x148B0] =	vst v1;
	v1 =	vshrl.u32 v59, $0x10  }
0x73: {  	[tilespmem:$0x14AB0] =	vst v1;
	v1 =	vand.u32 $0xFFFF, v2  }
0x74: {  	[tilespmem:$0x148C0] =	vst v1;
	v1 =	vshrl.u32 v2, $0x10  }
0x75: {  	s20 =	simm.s32 $0x14880;
	[tilespmem:$0x14AC0] =	vst v1  }
0x76: {  	[tilespmem:s23], [sflag:$0x1] =	stream.indirect.gather [hbm4b:s0+s21], $0x80, s20, s21, $0xb8;
	[tilespmem:$0x1EC80] =	vst v63  }
0x77: {  	v1 =	vld [tilespmem:$0x138D0];
	_ =	sdelay $0x1  }
0x78: {  	v2 =	vld [tilespmem:$0x138E0];
	_ =	sdelay $0x1  }
0x79: {  	v3 =	vld [tilespmem:$0x138F0]  }
0x7a: {  	v60 =	vand.u32 $0xFFFF, v1  }
0x7b: {  	v61 =	vld [tilespmem:$0x13900];
	v1 =	vshrl.u32 v1, $0x10;
	[tilespmem:$0x14900] =	vst v60  }
0x7c: {  	[tilespmem:$0x14B00] =	vst v1;
	v1 =	vand.u32 $0xFFFF, v2  }
0x7d: {  	[tilespmem:$0x14910] =	vst v1;
	v1 =	vshrl.u32 v2, $0x10;
	v2 =	vld [tilespmem:$0x13910]  }
0x7e: {  	[tilespmem:$0x14B10] =	vst v1;
	v1 =	vand.u32 $0xFFFF, v3  }
0x7f: {  	[tilespmem:$0x14920] =	vst v1;
	v1 =	vshrl.u32 v3, $0x10  }
0x80: {  	[tilespmem:$0x14B20] =	vst v1;
	v1 =	vand.u32 $0xFFFF, v61  }
0x81: {  	[tilespmem:$0x14930] =	vst v1;
	v1 =	vshrl.u32 v61, $0x10  }
0x82: {  	[tilespmem:$0x14B30] =	vst v1;
	v1 =	vand.u32 $0xFFFF, v2  }
0x83: {  	[tilespmem:$0x14940] =	vst v1;
	v1 =	vshrl.u32 v2, $0x10  }
0x84: {  	s26 =	simm.s32 $0x14900;
	s22 =	simm.s32 $0x17480;
	[tilespmem:$0x14B40] =	vst v1  }
0x85: {  	[tilespmem:s22], [sflag:$0x1] =	stream.indirect.gather [hbm4b:s0+s21], $0x80, s26, s21, $0xb8;
	[tilespmem:$0x1EC80] =	vst v63  }
0x86: {  	v1 =	vld [tilespmem:$0x13920];
	_ =	sdelay $0x1  }
0x87: {  	v2 =	vld [tilespmem:$0x13930];
	_ =	sdelay $0x1  }
0x88: {  	v3 =	vld [tilespmem:$0x13940]  }
0x89: {  	v62 =	vand.u32 $0xFFFF, v1  }
0x8a: {  	v63 =	vld [tilespmem:$0x13950];
	v1 =	vshrl.u32 v1, $0x10;
	[tilespmem:$0x14980] =	vst v62  }
0x8b: {  	[tilespmem:$0x14B80] =	vst v1;
	v1 =	vand.u32 $0xFFFF, v2  }
0x8c: {  	[tilespmem:$0x14990] =	vst v1;
	v1 =	vshrl.u32 v2, $0x10;
	v2 =	vld [tilespmem:$0x13960]  }
0x8d: {  	[tilespmem:$0x14B90] =	vst v1;
	v1 =	vand.u32 $0xFFFF, v3  }
0x8e: {  	[tilespmem:$0x149A0] =	vst v1;
	v1 =	vshrl.u32 v3, $0x10  }
0x8f: {  	[tilespmem:$0x14BA0] =	vst v1;
	v1 =	vand.u32 $0xFFFF, v63  }
0x90: {  	[tilespmem:$0x149B0] =	vst v1;
	v1 =	vshrl.u32 v63, $0x10  }
0x91: {  	[tilespmem:$0x14BB0] =	vst v1;
	v1 =	vand.u32 $0xFFFF, v2  }
.Ltmp3:
0x92: {  	[tilespmem:$0x149C0] =	vst v1;
	v1 =	vshrl.u32 v2, $0x10;
	(pc) =	sbr.rel .LBB2_4-.Ltmp3, $3  }
0x93: {  	s28 =	simm.s32 $0x14980;
	s30 =	simm.s32 $0x19C80;
	[tilespmem:$0x14BC0] =	vst v1  }
0x94: {  	[tilespmem:s30], [sflag:$0x1] =	stream.indirect.gather [hbm4b:s0+s21], $0x80, s28, s21, $0xb8;
	[tilespmem:$0x1EC80] =	vst v63  }
0x95: {  	[bflag:$0x0] =	sbarrier.arrive $0xFFFF;
	_ =	sdelay $0x1  }
.LBB2_6:
0x96: {  	s22 =	sadd.s32 $0xFFFFFFFD, s19  }
0x97: {  	s24 =	sshll.u32 s22, $0x18  }
0x98: {  	s24 =	sshra.s32 s24, $0x1F  }
0x99: {  	s24 =	sand.u32 $0x3, s24  }
0x9a: {  	s24 =	sadd.s32 s24, s22  }
0x9b: {  	s24 =	sand.u32 $0xFC, s24  }
0x9c: {  	s22 =	ssub.s32 s22, s24  }
0x9d: {  	s22 =	sshll.u32 s22, $0x18  }
0x9e: {  	s22 =	sshra.s32 s22, $0x18  }
0x9f: {  	_ =	swait.ge [sflag:s29], $0x2800;
	s30 =	smul.u32 $0xA000, s22  }
0xa0: {  	s25 =	sadd.s32 $0x1, s19;
	[sflag:s29] =	ssyncset.done $0x0;
	s22 =	sshll.u32 s22, $0x9  }
0xa1: {  	s26 =	smul.u32 $0x29, s25;
	s22 =	sshra.s32 s22, $0x2;
	s24 =	sshra.s32 s30, $0x2  }
0xa2: {  	[sflag:s29] =	ssyncadd.s32 $0xFFFFD800;
	s22 =	sadd.s32 $0x14A80, s22;
	s24 =	sadd.s32 $0x14C80, s24  }
0xa3: {  	[spmem:s4] =	stream.indirect.scatter.add.f32 [tilespmem:s24], [sflag:$0x2], $0x80, s22, s21, $0xb8;
	[tilespmem:$0x1EC80] =	vst v63  }
0xa4: {  	s24 =	sshrl.u32 s26, $0xA  }
0xa5: {  	s22 =	sand.u32 $0x3F, s24  }
0xa6: {  	s26 =	smul.u32 $0x19, s22  }
0xa7: {  	p1 =	sgt.u32 s19, $0x7B  }
0xa8: {  	s24 =	ssub.s32 s25, s26;
	s26 =	simm.s32 @!p1 $0x2  }
0xa9: {  	_ =	swait.ge @!p1 [sflag:s26], $0x2800;
	s28 =	sand.u32 @!p1 $0xFF, s24  }
0xaa: {  	s30 =	sand.u32 $0xFF, s24;
	[sflag:s26] =	ssyncset.done @!p1 $0x0;
	p2 =	sne.s32 @!p1 s28, $0x0  }
0xab: {  	[sflag:s26] =	ssyncadd.s32 @!p1 $0xFFFFD800;
	p2 =	por p2, p1;
	s26 =	sand.u32 @!p1 $0x1, s22  }
0xac: {  	s28 =	simm.s32 @!p2 $0x3;
	p3 =	seq.s32 @!p1 s26, $0x1;
	s26 =	smul.u32 @!p1 $0x140, s30  }
0xad: {  	s30 =	simm.s32 @!p1 $0x14050;
	_ =	swait.ge @!p2 [sflag:s28], $0x7D0;
	p3 =	por !p3, p1  }
0xae: {  	[sflag:s28] =	ssyncset.done @!p2 $0x0;
	s30 =	simm.s32 @p3 $0x13880;
	s26 =	sshrl.u32 @!p1 s26, $0x2  }
0xaf: {  	[sflag:s28] =	ssyncadd.s32 @!p2 $0xFFFFF830;
	s26 =	sadd.s32 @!p1 s26, s30  }
0xb0: {  	v1 =	vld @!p1 [tilespmem:s26+$0x0];
	_ =	sdelay $0x3  }
0xb1: {  	s25 =	sand.u32 $0x3, s25  }
0xb2: {  	s28 =	sshll.u32 @!p1 s25, $0x7;
	v2 =	vand.u32 @!p1 $0xFFFF, v1  }
0xb3: {  	v1 =	vshrl.u32 @!p1 v1, $0x10;
	[tilespmem:s28+$0x14880] =	vst @!p1 v2  }
0xb4: {  	[tilespmem:s28+$0x14A80] =	vst @!p1 v1  }
0xb5: {  	v1 =	vld @!p1 [tilespmem:s26+$0x10];
	_ =	sdelay $0x4  }
0xb6: {  	v2 =	vand.u32 @!p1 $0xFFFF, v1  }
0xb7: {  	v1 =	vshrl.u32 @!p1 v1, $0x10;
	[tilespmem:s28+$0x14890] =	vst @!p1 v2  }
0xb8: {  	[tilespmem:s28+$0x14A90] =	vst @!p1 v1  }
0xb9: {  	v1 =	vld @!p1 [tilespmem:s26+$0x20];
	_ =	sdelay $0x4  }
0xba: {  	v2 =	vand.u32 @!p1 $0xFFFF, v1  }
0xbb: {  	v1 =	vshrl.u32 @!p1 v1, $0x10;
	[tilespmem:s28+$0x148A0] =	vst @!p1 v2  }
0xbc: {  	[tilespmem:s28+$0x14AA0] =	vst @!p1 v1  }
0xbd: {  	v1 =	vld @!p1 [tilespmem:s26+$0x30];
	_ =	sdelay $0x4  }
0xbe: {  	p2 =	sgt.u32 @!p1 s19, $0x49;
	v2 =	vand.u32 @!p1 $0xFFFF, v1  }
0xbf: {  	p3 =	por p2, p1;
	v1 =	vshrl.u32 @!p1 v1, $0x10;
	[tilespmem:s28+$0x148B0] =	vst @!p1 v2  }
0xc0: {  	s24 =	sand.u32 @!p3 $0xFF, s24;
	[tilespmem:s28+$0x14AB0] =	vst @!p1 v1  }
0xc1: {  	p3 =	sne.s32 @!p3 s24, $0x18;
	v1 =	vld @!p1 [tilespmem:s26+$0x40]  }
0xc2: {  	p2 =	por @!p1 p3, p2  }
0xc3: {  	p2 =	por p2, p1  }
0xc4: {  	s22 =	smul.u32 @!p2 $0x7D0, s22  }
0xc5: {  	s25 =	smul.u32 @!p1 $0xA000, s25  }
0xc6: {  	s20 =	sxor.u32 $0x2, s20;
	s22 =	sadd.s32 @!p2 s22, s15;
	v2 =	vand.u32 @!p1 $0xFFFF, v1  }
0xc7: {  	s25 =	sshrl.u32 @!p1 s25, $0x2;
	s24 =	sadd.s32 @!p1 $0x14880, s28;
	s22 =	sshrl.u32 @!p2 s22, $0x3;
	v1 =	vshrl.u32 @!p1 v1, $0x10;
	[tilespmem:s28+$0x148C0] =	vst @!p1 v2  }
0xc8: {  	s25 =	sadd.s32 @!p1 $0x14C80, s25;
	s22 =	sadd.s32 @!p2 s2, s22;
	s26 =	simm.s32 @!p1 $0x50;
	[tilespmem:s28+$0x14AC0] =	vst @!p1 v1  }
0xc9: {  	[tilespmem:s25], [sflag:$0x1] =	stream.indirect.gather @!p1 [hbm4b:s0+s26], $0x80, s24, s26, $0xb8;
	[tilespmem:$0x1EC80] =	vst v63  }
0xca: {  	s28 =	smul.u32 $0xA000, s20;
	s24 =	simm.s32 @!p2 $0x0;
	p1 =	slt.u32 s19, $0x7D  }
0xcb: {  	[tilespmem:s30], [sflag:$0x3] =	stream.linear.gather @!p2 [hbm4b:s22+s24], $0x7D0, $0x38;
	[tilespmem:$0x1EC80] =	vst v63  }
.Ltmp4:
0xcc: {  	s20 =	sshll.u32 s20, $0x7;
	(pc) =	sbr.rel @!p1 .LBB2_7-.Ltmp4, $4  }
0xcd: {  	s20 =	sadd.s32 $0x14A80, s20;
	_ =	swait.ge [sflag:s29], $0x2800  }
0xce: {  	s22 =	sshrl.u32 s28, $0x2;
	s30 =	sadd.s32 $0x2, s19;
	[sflag:s29] =	ssyncset.done $0x0  }
0xcf: {  	s22 =	sadd.s32 $0x14C80, s22;
	s19 =	smov.u32 s30;
	[sflag:s29] =	ssyncadd.s32 $0xFFFFD800  }
0xd0: {  	[spmem:s4] =	stream.indirect.scatter.add.f32 [tilespmem:s22], [sflag:$0x2], $0x80, s20, s21, $0xb8;
	[tilespmem:$0x1EC80] =	vst v63  }
.LBB2_4:
0xd1: {  	p1 =	sgt.u32 s19, $0x7C  }
.Ltmp5:
0xd2: {  	_ = 	snop;
	(pc) =	sbr.rel @p1 .LBB2_6-.Ltmp5, $2  }
0xd3: {  	_ =	sdelay $0x2  }
0xd4: {  	s20 =	sand.u32 $0x3, s19  }
0xd5: {  	s22 =	smul.u32 $0x29, s19;
	_ =	sdelay $0x1  }
0xd6: {  	s22 =	sshrl.u32 s22, $0xA  }
0xd7: {  	s22 =	sand.u32 $0x3F, s22  }
0xd8: {  	p1 =	slt.u32 s19, $0x4;
	s24 =	smul.u32 $0x19, s22  }
0xd9: {  	s25 =	simm.s32 @!p1 $0x2  }
0xda: {  	_ =	swait.ge @!p1 [sflag:s25], $0x2800;
	s24 =	ssub.s32 s19, s24  }
0xdb: {  	[sflag:s25] =	ssyncset.done @!p1 $0x0;
	s26 =	sand.u32 $0xFF, s24  }
0xdc: {  	[sflag:s25] =	ssyncadd.s32 @!p1 $0xFFFFD800;
	p1 =	sne.s32 s26, $0x0  }
0xdd: {  	s28 =	sand.u32 $0x1, s22;
	s26 =	smul.u32 $0x140, s26;
	s25 =	simm.s32 @!p1 $0x3  }
0xde: {  	p2 =	seq.s32 s28, $0x1;
	s28 =	simm.s32 $0x14050;
	_ =	swait.ge @!p1 [sflag:s25], $0x7D0  }
0xdf: {  	s28 =	simm.s32 @!p2 $0x13880;
	s26 =	sshrl.u32 s26, $0x2;
	[sflag:s25] =	ssyncset.done @!p1 $0x0  }
0xe0: {  	s30 =	sadd.s32 s26, s28;
	[sflag:s25] =	ssyncadd.s32 @!p1 $0xFFFFF830  }
0xe1: {  	v1 =	vld [tilespmem:s30+$0x0];
	_ =	sdelay $0x4  }
0xe2: {  	s26 =	sshll.u32 s20, $0x7;
	v2 =	vand.u32 $0xFFFF, v1  }
0xe3: {  	v1 =	vshrl.u32 v1, $0x10;
	[tilespmem:s26+$0x14880] =	vst v2  }
0xe4: {  	[tilespmem:s26+$0x14A80] =	vst v1  }
0xe5: {  	v1 =	vld [tilespmem:s30+$0x10];
	_ =	sdelay $0x4  }
0xe6: {  	v2 =	vand.u32 $0xFFFF, v1  }
0xe7: {  	v1 =	vshrl.u32 v1, $0x10;
	[tilespmem:s26+$0x14890] =	vst v2  }
0xe8: {  	[tilespmem:s26+$0x14A90] =	vst v1  }
0xe9: {  	v1 =	vld [tilespmem:s30+$0x20];
	_ =	sdelay $0x4  }
0xea: {  	v2 =	vand.u32 $0xFFFF, v1  }
0xeb: {  	v1 =	vshrl.u32 v1, $0x10;
	[tilespmem:s26+$0x148A0] =	vst v2  }
0xec: {  	[tilespmem:s26+$0x14AA0] =	vst v1  }
0xed: {  	v1 =	vld [tilespmem:s30+$0x30];
	_ =	sdelay $0x4  }
0xee: {  	v2 =	vand.u32 $0xFFFF, v1  }
0xef: {  	v1 =	vshrl.u32 v1, $0x10;
	[tilespmem:s26+$0x148B0] =	vst v2  }
0xf0: {  	p1 =	sgt.u32 s19, $0x4A;
	[tilespmem:s26+$0x14AB0] =	vst v1  }
0xf1: {  	s24 =	sand.u32 @!p1 $0xFF, s24;
	v1 =	vld [tilespmem:s30+$0x40]  }
0xf2: {  	p2 =	sne.s32 @!p1 s24, $0x18  }
0xf3: {  	p1 =	por p2, p1  }
0xf4: {  	s22 =	smul.u32 @!p1 $0x7D0, s22  }
0xf5: {  	s30 =	smul.u32 $0xA000, s20  }
0xf6: {  	v2 =	vand.u32 $0xFFFF, v1  }
.Ltmp6:
0xf7: {  	s22 =	sadd.s32 @!p1 s22, s15;
	s25 =	sshrl.u32 s30, $0x2;
	v1 =	vshrl.u32 v1, $0x10;
	[tilespmem:s26+$0x148C0] =	vst v2;
	(pc) =	sbr.rel .LBB2_6-.Ltmp6, $4  }
0xf8: {  	s22 =	sshrl.u32 @!p1 s22, $0x3;
	s30 =	sadd.s32 $0x14880, s26;
	s24 =	sadd.s32 $0x14C80, s25;
	[tilespmem:s26+$0x14AC0] =	vst v1  }
0xf9: {  	[tilespmem:s24], [sflag:$0x1] =	stream.indirect.gather [hbm4b:s0+s21], $0x80, s30, s21, $0xb8;
	[tilespmem:$0x1EC80] =	vst v63  }
0xfa: {  	s22 =	sadd.s32 @!p1 s2, s22;
	s24 =	simm.s32 @!p1 $0x0  }
0xfb: {  	[tilespmem:s28], [sflag:$0x3] =	stream.linear.gather @!p1 [hbm4b:s22+s24], $0x7D0, $0x38;
	[tilespmem:$0x1EC80] =	vst v63  }
.LBB2_8:
0xfc: {  	_ =	sfence.sel $0x180000  }
0xfd: {  	[bflag:$0x0] =	sbarrier.arrive $0xFFFF  }
0xfe: {  	_ =	strace $0x90000047  }
0xff: {  	[bflag:$0x2] =	sbarrier.arrive $0xFFFF  }
0x100: {  	p0 =	sne.s32 s1, $0x0;
	s0 =	rddreg [dreg:$0x4]  }
0x101: {  	s0 =	sadd.s32 @!p0 $0x100000, s0  }
0x102: {  	[sflag:s0] =	ssyncadd.tile.s32 @!p0 $0x1;
	_ =	shalt  }
.Lfunc_end2:
_tile_overlayer_lowered:
.L_overlay_start_2:
0x103: {  	(tag) =	ssettag $0x2  }
0x104: {  	s0 =	rddreg [dreg:$0x0];
	s2 =	stileid.u32  }
0x105: {  	s1 =	rddreg [dreg:$0x1];
	p0 =	sne.s32 s2, $0x0  }
0x106: {  	s3 =	rddreg [dreg:$0x2];
	[bflag:$0x3] =	sbarrier.arrive $0xFFFF;
	s2 =	simm.s32 @!p0 $0x1C05  }
0x107: {  	[timem:s3], [sflag:s2] =	dma.local @!p0 [hbm:s0], s1  }
0x108: {  	s0 =	simm.s32 @!p0 $0x5  }
0x109: {  	_ =	swait.ge @!p0 [sflag:s0], s1  }
0x10a: {  	s1 =	ssub.s32 @!p0 $0x0, s1;
	[sflag:s0] =	ssyncset.done @!p0 $0x0  }
0x10b: {  	[sflag:s0] =	ssyncadd.s32 @!p0 s1  }
0x10c: {  	[bflag:$0x3] =	sbarrier.arrive $0xFFFF  }
0x10d: {  	_ =	shalt  }

</sc_bundles>
